<compile_context>
chip_gen: v7x
topology: tpu7x:2x2x1
jax: 0.10.2.dev20260603
libtpu: 0.0.44.dev20260713+nightly
codegen_flags: <defaults>
</compile_context>

<pallas_src>
import functools

import jax
import jax.numpy as jnp
from jax import lax
from jax.experimental import pallas as pl
from jax.experimental.pallas import tpu as pltpu
from jax.experimental.pallas import tpu_sc as plsc

N = 10000
E = 320000
IN_D = 128
HID = 128
OUT_D = 64
NP = 10240
CHUNK = 128
NTILES = 32
NCH = 80
EP = NTILES * NCH * CHUNK
RPT = NP // 16
EPS = 1e-5


def _sc_mesh():
    return plsc.VectorSubcoreMesh(core_axis_name="c", subcore_axis_name="s")



@functools.partial(
    pl.kernel,
    out_type=jax.ShapeDtypeStruct((2, NP), jnp.float32),
    mesh=_sc_mesh(),
    scratch_types=[
        pltpu.VMEM((NCH, CHUNK), jnp.int32),
        pltpu.VMEM((CHUNK,), jnp.float32),
        pltpu.VMEM_SHARED((NP,), jnp.float32),
    ],
)
def _deg_kernel(dsts, ones, zer, out, dst_v, ones_v, deg_sh):
    c = lax.axis_index("c")
    s = lax.axis_index("s")
    wid = s * 2 + c
    pltpu.sync_copy(zer, deg_sh.at[pl.ds(s * RPT, RPT)])
    pltpu.sync_copy(ones, ones_v)
    plsc.subcore_barrier()
    pltpu.sync_copy(dsts.at[wid], dst_v)

    def body(j, carry):
        pltpu.sync_copy(ones_v, deg_sh.at[dst_v.at[j]], add=True)
        return carry

    lax.fori_loop(0, NCH, body, 0)
    plsc.subcore_barrier()
    pltpu.sync_copy(deg_sh.at[pl.ds(s * RPT, RPT)],
                    out.at[c, pl.ds(s * RPT, RPT)])


def _make_conv(D):
    @functools.partial(
        pl.kernel,
        out_type=jax.ShapeDtypeStruct((2, NP, D), jnp.float32),
        mesh=_sc_mesh(),
        scratch_types=[
            pltpu.VMEM((NCH, CHUNK), jnp.int32),
            pltpu.VMEM((NCH, CHUNK), jnp.int32),
            pltpu.VMEM((CHUNK, D), jnp.float32),
            pltpu.VMEM_SHARED((NP, D), jnp.float32),
            pltpu.SemaphoreType.DMA,
        ],
        compiler_params=pltpu.CompilerParams(use_tc_tiling_on_sc=False),
    )
    def conv_kernel(table, srcs, dsts, zrows, out, src_v, dst_v, rows_v,
                    acc_sh, sem):
        c = lax.axis_index("c")
        s = lax.axis_index("s")
        wid = s * 2 + c
        pltpu.sync_copy(zrows, acc_sh.at[pl.ds(s * RPT, RPT)])
        plsc.subcore_barrier()
        pltpu.sync_copy(srcs.at[wid], src_v)
        pltpu.sync_copy(dsts.at[wid], dst_v)

        def body(j, carry):
            pltpu.async_copy(table.at[src_v.at[j]], rows_v, sem).wait()
            pltpu.sync_copy(rows_v, acc_sh.at[dst_v.at[j]], add=True)
            return carry

        lax.fori_loop(0, NCH, body, 0)
        plsc.subcore_barrier()
        pltpu.sync_copy(acc_sh.at[pl.ds(s * RPT, RPT)],
                        out.at[c, pl.ds(s * RPT, RPT)])

    return conv_kernel


_conv128 = _make_conv(HID)
_conv64 = _make_conv(OUT_D)



def _stage0_body(degs_ref, x_ref, w_ref, dinv_ref, xt_ref):
    deg = jnp.sum(degs_ref[...], axis=0) + 1.0
    rows = lax.broadcasted_iota(jnp.int32, (NP, 1), 0)
    dinv = jnp.where(rows < N, lax.rsqrt(deg), 0.0)
    dinv_ref[...] = dinv
    xt_ref[...] = jnp.dot(x_ref[...], w_ref[...],
                          preferred_element_type=jnp.float32) * dinv


def _stage_mid_body(acc_ref, xt_ref, dinv_ref, b_ref, g_ref, be_ref, w_ref,
                    out_ref):
    dinv = dinv_ref[...]
    rows = lax.broadcasted_iota(jnp.int32, (NP, 1), 0)
    mask = (rows < N).astype(jnp.float32)
    h = ((acc_ref[0] + acc_ref[1] + xt_ref[...]) * dinv + b_ref[...]) * mask
    m = jnp.sum(h, axis=0, keepdims=True) * (1.0 / N)
    d = (h - m) * mask
    v = jnp.sum(d * d, axis=0, keepdims=True) * (1.0 / N)
    hb = d * lax.rsqrt(v + EPS) * g_ref[...] + be_ref[...]
    hr = jnp.maximum(hb, 0.0)
    out_ref[...] = jnp.dot(hr, w_ref[...],
                           preferred_element_type=jnp.float32) * dinv


def _stage3_body(acc_ref, xt_ref, dinv_ref, b_ref, w_ref, out_ref):
    dinv = dinv_ref[...]
    rows = lax.broadcasted_iota(jnp.int32, (NP, 1), 0)
    mask = (rows < N).astype(jnp.float32)
    h = ((acc_ref[0] + acc_ref[1] + xt_ref[...]) * dinv + b_ref[...]) * mask
    out_ref[...] = jnp.dot(h, w_ref[...],
                           preferred_element_type=jnp.float32) * dinv


def _stage4_body(acc_ref, xt_ref, dinv_ref, bf_ref, out_ref):
    dinv = dinv_ref[...]
    o = (acc_ref[0] + acc_ref[1] + xt_ref[...]) * dinv + bf_ref[...]
    o = o[:N]
    mx = jnp.max(o, axis=1, keepdims=True)
    lse = jnp.log(jnp.sum(jnp.exp(o - mx), axis=1, keepdims=True)) + mx
    out_ref[...] = o - lse


_stage0 = pl.pallas_call(
    _stage0_body,
    out_shape=(jax.ShapeDtypeStruct((NP, 1), jnp.float32),
               jax.ShapeDtypeStruct((NP, HID), jnp.float32)),
)

_stage_mid = pl.pallas_call(
    _stage_mid_body,
    out_shape=jax.ShapeDtypeStruct((NP, HID), jnp.float32),
)

_stage3 = pl.pallas_call(
    _stage3_body,
    out_shape=jax.ShapeDtypeStruct((NP, OUT_D), jnp.float32),
)

_stage4 = pl.pallas_call(
    _stage4_body,
    out_shape=jax.ShapeDtypeStruct((N, OUT_D), jnp.float32),
)



def kernel(x, edge_index, W0, b0, W1, b1, W2, b2, Wf, bf, g0, be0, g1, be1):
    pad = jnp.full((EP - E,), N, jnp.int32)
    srcs = jnp.concatenate([edge_index[0], pad]).reshape(NTILES, NCH, CHUNK)
    dsts = jnp.concatenate([edge_index[1], pad]).reshape(NTILES, NCH, CHUNK)
    xp = jnp.zeros((NP, IN_D), jnp.float32).at[:N].set(x)
    z128 = jnp.zeros((RPT, HID), jnp.float32)
    z64 = jnp.zeros((RPT, OUT_D), jnp.float32)
    b0r, b1r, b2r, bfr = (v.reshape(1, -1) for v in (b0, b1, b2, bf))
    g0r, be0r, g1r, be1r = (v.reshape(1, -1) for v in (g0, be0, g1, be1))

    ones_c = jnp.ones((CHUNK,), jnp.float32)
    zer_r = jnp.zeros((RPT,), jnp.float32)
    deg_parts = _deg_kernel(dsts, ones_c, zer_r)
    dinv, xt0 = _stage0(deg_parts[..., None], xp, W0)
    acc = _conv128(xt0, srcs, dsts, z128)
    xt1 = _stage_mid(acc, xt0, dinv, b0r, g0r, be0r, W1)
    acc = _conv128(xt1, srcs, dsts, z128)
    xt2 = _stage_mid(acc, xt1, dinv, b1r, g1r, be1r, W2)
    acc = _conv128(xt2, srcs, dsts, z128)
    xt3 = _stage3(acc, xt2, dinv, b2r, Wf)
    acc4 = _conv64(xt3, srcs, dsts, z64)
    return _stage4(acc4, xt3, dinv, bfr)

# --- scband reference (transcript-rebuilt; emitter-appended) ---
"""Pipeline reference for scband-gcn-17617955848194 (READ-ONLY COPY).

The authoritative reference and input builder live on the scoring server;
editing this copy changes nothing except your own understanding.
"""

import jax, jax.numpy as jnp
import numpy as np

N_NODES = 10000
N_EDGES = 320000
IN_DIM = 128
HID = 128
OUT_DIM = 64


def setup_inputs(seed: int = 0) -> dict:
    key = jax.random.key(seed)
    ks = jax.random.split(key, 16)
    x = jax.random.normal(ks[0], (N_NODES, IN_DIM), dtype=jnp.float32)
    edge_index = jax.random.randint(ks[1], (2, N_EDGES), 0, N_NODES, dtype=jnp.int64 if jax.config.jax_enable_x64 else jnp.int32).astype(jnp.int32)
    s_in = 1.0 / np.sqrt(IN_DIM)
    s_h = 1.0 / np.sqrt(HID)
    W0 = jax.random.normal(ks[2], (IN_DIM, HID), dtype=jnp.float32) * s_in
    b0 = jnp.zeros((HID,), dtype=jnp.float32)
    W1 = jax.random.normal(ks[3], (HID, HID), dtype=jnp.float32) * s_h
    b1 = jnp.zeros((HID,), dtype=jnp.float32)
    W2 = jax.random.normal(ks[4], (HID, HID), dtype=jnp.float32) * s_h
    b2 = jnp.zeros((HID,), dtype=jnp.float32)
    Wf = jax.random.normal(ks[5], (HID, OUT_DIM), dtype=jnp.float32) * s_h
    bf = jnp.zeros((OUT_DIM,), dtype=jnp.float32)
    g0 = jnp.ones((HID,), dtype=jnp.float32)
    be0 = jnp.zeros((HID,), dtype=jnp.float32)
    g1 = jnp.ones((HID,), dtype=jnp.float32)
    be1 = jnp.zeros((HID,), dtype=jnp.float32)
    return {"x": x, "edge_index": edge_index, "W0": W0, "b0": b0, "W1": W1, "b1": b1, "W2": W2, "b2": b2, "Wf": Wf, "bf": bf, "g0": g0, "be0": be0, "g1": g1, "be1": be1}


def _gcn_conv(x, W, b, src, dst, n):
    # PyG GCNConv: linear transform, symmetric degree normalization (self-loops
    # already appended to src/dst), scatter-add aggregation, bias.
    xw = x @ W
    ones = jnp.ones((src.shape[0],), dtype=x.dtype)
    deg = jax.ops.segment_sum(ones, dst, num_segments=n)
    dinv = jnp.where(deg > 0, 1.0 / jnp.sqrt(deg), 0.0)
    norm = dinv[src] * dinv[dst]
    msg = jnp.take(xw, src, axis=0) * norm[:, None]
    agg = jax.ops.segment_sum(msg, dst, num_segments=n)
    return agg + b


def _bn(x, g, b, eps=1e-5):
    m = jnp.mean(x, axis=0)
    v = jnp.var(x, axis=0)
    return (x - m) / jnp.sqrt(v + eps) * g + b


def reference(x, edge_index, W0, b0, W1, b1, W2, b2, Wf, bf, g0, be0, g1, be1):
    n = x.shape[0]
    loops = jnp.arange(n, dtype=edge_index.dtype)
    src = jnp.concatenate([edge_index[0], loops])
    dst = jnp.concatenate([edge_index[1], loops])
    h = _gcn_conv(x, W0, b0, src, dst, n)
    h = _bn(h, g0, be0)
    h = jax.nn.relu(h)  # dropout is identity in eval
    h = _gcn_conv(h, W1, b1, src, dst, n)
    h = _bn(h, g1, be1)
    h = jax.nn.relu(h)
    h = _gcn_conv(h, W2, b2, src, dst, n)
    out = _gcn_conv(h, Wf, bf, src, dst, n)
    return jax.nn.log_softmax(out, axis=1)

if __name__ == "__main__":
    import jax
    _d = setup_inputs()
    print(jax.jit(kernel)(*tuple(_d.values())))

</pallas_src>

<mosaic_0001>
#map = affine_map<(d0, d1) -> (0, 0, 0)>
#map1 = affine_map<(d0, d1) -> (0)>
#map2 = affine_map<(d0, d1) -> (0, 0)>
module attributes {stable_mosaic.version = 14 : i64} {
  func.func @_deg_kernel(%arg0: i32, %arg1: i32, %arg2: memref<32x80x128xi32, #tpu.memory_space<hbm>>, %arg3: memref<128xf32, #tpu.memory_space<hbm>>, %arg4: memref<640xf32, #tpu.memory_space<hbm>>, %arg5: memref<2x10240xf32, #tpu.memory_space<hbm>>, %arg6: memref<80x128xi32, #tpu.memory_space<vmem>>, %arg7: memref<128xf32, #tpu.memory_space<vmem>>, %arg8: memref<10240xf32, #tpu.memory_space<vmem_shared>>) attributes {dimension_semantics = [#tpu.dimension_semantics<core_parallel>, #tpu.dimension_semantics<subcore_parallel>], iteration_bounds = array<i64: 2, 16>, scalar_prefetch = 0 : i64, scratch_operands = 3 : i64, tpu.core_type = #tpu.core_type<sc_vector_subcore>, window_params = [{transform_indices = #map}, {transform_indices = #map1}, {transform_indices = #map1}, {transform_indices = #map2}]} {
    %mul3A = arith.constant 2 : i32
    %mul3A_0 = arith.muli %arg1, %mul3A : i32
    %add3A = arith.addi %mul3A_0, %arg0 : i32
    %mul3A_1 = arith.constant 640 : i32
    %mul3A_2 = arith.muli %arg1, %mul3A_1 : i32
    "tpu.region"() ({
      %run_scoped3A = tpu.sem_alloc : memref<!tpu.dma_semaphore, #tpu.memory_space<semaphore_mem>>
      %dma_start3A = tpu.memref_slice %arg8[%mul3A_2] : memref<10240xf32, #tpu.memory_space<vmem_shared>> -> memref<640xf32, #tpu.memory_space<vmem_shared>>
      tpu.enqueue_dma source(%arg4 : memref<640xf32, #tpu.memory_space<hbm>>) target(%dma_start3A : memref<640xf32, #tpu.memory_space<vmem_shared>>) target_semaphore(%run_scoped3A : memref<!tpu.dma_semaphore, #tpu.memory_space<semaphore_mem>>)
      %dma_wait3A = tpu.memref_slice %arg8[%mul3A_2] : memref<10240xf32, #tpu.memory_space<vmem_shared>> -> memref<640xf32, #tpu.memory_space<vmem_shared>>
      tpu.wait_dma2 semaphore(%run_scoped3A : memref<!tpu.dma_semaphore, #tpu.memory_space<semaphore_mem>>) src(%arg4 : memref<640xf32, #tpu.memory_space<hbm>>) dst(%dma_wait3A : memref<640xf32, #tpu.memory_space<vmem_shared>>)
      tpu.yield
    }) : () -> ()
    "tpu.region"() ({
      %run_scoped3A = tpu.sem_alloc : memref<!tpu.dma_semaphore, #tpu.memory_space<semaphore_mem>>
      tpu.enqueue_dma source(%arg3 : memref<128xf32, #tpu.memory_space<hbm>>) target(%arg7 : memref<128xf32, #tpu.memory_space<vmem>>) target_semaphore(%run_scoped3A : memref<!tpu.dma_semaphore, #tpu.memory_space<semaphore_mem>>)
      tpu.wait_dma2 semaphore(%run_scoped3A : memref<!tpu.dma_semaphore, #tpu.memory_space<semaphore_mem>>) src(%arg3 : memref<128xf32, #tpu.memory_space<hbm>>) dst(%arg7 : memref<128xf32, #tpu.memory_space<vmem>>)
      tpu.yield
    }) : () -> ()
    %barrier3A = arith.constant 0 : index
    tpu.barrier barrier_id(%barrier3A)
    "tpu.region"() ({
      %run_scoped3A = tpu.sem_alloc : memref<!tpu.dma_semaphore, #tpu.memory_space<semaphore_mem>>
      %dma_start3A = arith.constant 0 : i32
      %dma_start3A_13 = arith.constant 0 : i32
      %dma_start3A_14 = tpu.memref_slice %arg2[%add3A, %dma_start3A, %dma_start3A_13] : memref<32x80x128xi32, #tpu.memory_space<hbm>> -> memref<1x80x128xi32, #tpu.memory_space<hbm>>
      %dma_start3A_15 = tpu.memref_squeeze %dma_start3A_14 : memref<1x80x128xi32, #tpu.memory_space<hbm>> -> memref<80x128xi32, #tpu.memory_space<hbm>>
      %dma_start3A_16 = arith.constant 0 : i32
      %dma_start3A_17 = arith.constant 0 : i32
      %dma_start3A_18 = tpu.memref_slice %arg2[%add3A, %dma_start3A_16, %dma_start3A_17] : memref<32x80x128xi32, #tpu.memory_space<hbm>> -> memref<1x80x128xi32, #tpu.memory_space<hbm>>
      %dma_start3A_19 = tpu.memref_squeeze %dma_start3A_18 : memref<1x80x128xi32, #tpu.memory_space<hbm>> -> memref<80x128xi32, #tpu.memory_space<hbm>>
      tpu.enqueue_dma source(%dma_start3A_19 : memref<80x128xi32, #tpu.memory_space<hbm>>) target(%arg6 : memref<80x128xi32, #tpu.memory_space<vmem>>) target_semaphore(%run_scoped3A : memref<!tpu.dma_semaphore, #tpu.memory_space<semaphore_mem>>)
      %dma_wait3A = arith.constant 0 : i32
      %dma_wait3A_20 = arith.constant 0 : i32
      %dma_wait3A_21 = tpu.memref_slice %arg2[%add3A, %dma_wait3A, %dma_wait3A_20] : memref<32x80x128xi32, #tpu.memory_space<hbm>> -> memref<1x80x128xi32, #tpu.memory_space<hbm>>
      %dma_wait3A_22 = tpu.memref_squeeze %dma_wait3A_21 : memref<1x80x128xi32, #tpu.memory_space<hbm>> -> memref<80x128xi32, #tpu.memory_space<hbm>>
      %dma_wait3A_23 = arith.constant 0 : i32
      %dma_wait3A_24 = arith.constant 0 : i32
      %dma_wait3A_25 = tpu.memref_slice %arg2[%add3A, %dma_wait3A_23, %dma_wait3A_24] : memref<32x80x128xi32, #tpu.memory_space<hbm>> -> memref<1x80x128xi32, #tpu.memory_space<hbm>>
      %dma_wait3A_26 = tpu.memref_squeeze %dma_wait3A_25 : memref<1x80x128xi32, #tpu.memory_space<hbm>> -> memref<80x128xi32, #tpu.memory_space<hbm>>
      tpu.wait_dma2 semaphore(%run_scoped3A : memref<!tpu.dma_semaphore, #tpu.memory_space<semaphore_mem>>) src(%dma_wait3A_26 : memref<80x128xi32, #tpu.memory_space<hbm>>) dst(%arg6 : memref<80x128xi32, #tpu.memory_space<vmem>>)
      tpu.yield
    }) : () -> ()
    %scan3A = arith.constant 0 : i32
    %scan3A_3 = arith.constant 0 : i32
    %scan3A_4 = arith.constant 80 : i32
    %scan3A_5 = arith.addi %scan3A_3, %scan3A_4 : i32
    %scan3A_6 = arith.constant 1 : i32
    scf.for %scan3A_13 = %scan3A_3 to %scan3A_5 step %scan3A_6  : i32 {
      "tpu.region"() ({
        %run_scoped3A = tpu.sem_alloc : memref<!tpu.dma_semaphore, #tpu.memory_space<semaphore_mem>>
        %dma_start3A = arith.constant 0 : i32
        %dma_start3A_14 = tpu.memref_slice %arg6[%scan3A_13, %dma_start3A] : memref<80x128xi32, #tpu.memory_space<vmem>> -> memref<1x128xi32, #tpu.memory_space<vmem>>
        %dma_start3A_15 = tpu.memref_squeeze %dma_start3A_14 : memref<1x128xi32, #tpu.memory_space<vmem>> -> memref<128xi32, #tpu.memory_space<vmem>>
        %dma_start3A_16 = arith.constant 0 : i32
        %dma_start3A_17 = tpu.memref_slice %arg8[%dma_start3A_16] : memref<10240xf32, #tpu.memory_space<vmem_shared>> -> memref<10240xf32, #tpu.memory_space<vmem_shared>>
        tpu.enqueue_indirect_dma source(%arg7 : memref<128xf32, #tpu.memory_space<vmem>>) target(%dma_start3A_17 : memref<10240xf32, #tpu.memory_space<vmem_shared>>) offsets(%dma_start3A_15 : memref<128xi32, #tpu.memory_space<vmem>>) semaphore(%run_scoped3A : memref<!tpu.dma_semaphore, #tpu.memory_space<semaphore_mem>>) {add = true}
        %dma_wait3A = arith.constant 0 : i32
        %dma_wait3A_18 = tpu.memref_slice %arg6[%scan3A_13, %dma_wait3A] : memref<80x128xi32, #tpu.memory_space<vmem>> -> memref<1x128xi32, #tpu.memory_space<vmem>>
        %dma_wait3A_19 = tpu.memref_squeeze %dma_wait3A_18 : memref<1x128xi32, #tpu.memory_space<vmem>> -> memref<128xi32, #tpu.memory_space<vmem>>
        %dma_wait3A_20 = arith.constant 0 : i32
        %dma_wait3A_21 = tpu.memref_slice %arg8[%dma_wait3A_20] : memref<10240xf32, #tpu.memory_space<vmem_shared>> -> memref<10240xf32, #tpu.memory_space<vmem_shared>>
        tpu.wait_indirect_dma semaphore(%run_scoped3A : memref<!tpu.dma_semaphore, #tpu.memory_space<semaphore_mem>>) src(%arg7 : memref<128xf32, #tpu.memory_space<vmem>>) dst(%dma_wait3A_21 : memref<10240xf32, #tpu.memory_space<vmem_shared>>)
        tpu.yield
      }) : () -> ()
    }
    %scan3A_7 = arith.constant 80 : i32
    %barrier3A_8 = arith.constant 0 : index
    tpu.barrier barrier_id(%barrier3A_8)
    %mul3A_9 = arith.constant 640 : i32
    %mul3A_10 = arith.muli %arg1, %mul3A_9 : i32
    %mul3A_11 = arith.constant 640 : i32
    %mul3A_12 = arith.muli %arg1, %mul3A_11 : i32
    "tpu.region"() ({
      %run_scoped3A = tpu.sem_alloc : memref<!tpu.dma_semaphore, #tpu.memory_space<semaphore_mem>>
      %dma_start3A = tpu.memref_slice %arg5[%arg0, %mul3A_12] : memref<2x10240xf32, #tpu.memory_space<hbm>> -> memref<1x640xf32, #tpu.memory_space<hbm>>
      %dma_start3A_13 = tpu.memref_squeeze %dma_start3A : memref<1x640xf32, #tpu.memory_space<hbm>> -> memref<640xf32, #tpu.memory_space<hbm>>
      %dma_start3A_14 = tpu.memref_slice %arg8[%mul3A_10] : memref<10240xf32, #tpu.memory_space<vmem_shared>> -> memref<640xf32, #tpu.memory_space<vmem_shared>>
      tpu.enqueue_dma source(%dma_start3A_14 : memref<640xf32, #tpu.memory_space<vmem_shared>>) target(%dma_start3A_13 : memref<640xf32, #tpu.memory_space<hbm>>) target_semaphore(%run_scoped3A : memref<!tpu.dma_semaphore, #tpu.memory_space<semaphore_mem>>)
      %dma_wait3A = tpu.memref_slice %arg5[%arg0, %mul3A_12] : memref<2x10240xf32, #tpu.memory_space<hbm>> -> memref<1x640xf32, #tpu.memory_space<hbm>>
      %dma_wait3A_15 = tpu.memref_squeeze %dma_wait3A : memref<1x640xf32, #tpu.memory_space<hbm>> -> memref<640xf32, #tpu.memory_space<hbm>>
      %dma_wait3A_16 = tpu.memref_slice %arg8[%mul3A_10] : memref<10240xf32, #tpu.memory_space<vmem_shared>> -> memref<640xf32, #tpu.memory_space<vmem_shared>>
      tpu.wait_dma2 semaphore(%run_scoped3A : memref<!tpu.dma_semaphore, #tpu.memory_space<semaphore_mem>>) src(%dma_wait3A_16 : memref<640xf32, #tpu.memory_space<vmem_shared>>) dst(%dma_wait3A_15 : memref<640xf32, #tpu.memory_space<hbm>>)
      tpu.yield
    }) : () -> ()
    return
  }
}

#map = affine_map<(d0, d1) -> (0, 0)>
#map1 = affine_map<(d0, d1) -> (0, 0, 0)>
module attributes {stable_mosaic.version = 14 : i64} {
  func.func @conv_kernel(%arg0: i32, %arg1: i32, %arg2: memref<10240x128xf32, #tpu.memory_space<hbm>>, %arg3: memref<32x80x128xi32, #tpu.memory_space<hbm>>, %arg4: memref<32x80x128xi32, #tpu.memory_space<hbm>>, %arg5: memref<640x128xf32, #tpu.memory_space<hbm>>, %arg6: memref<2x10240x128xf32, #tpu.memory_space<hbm>>, %arg7: memref<80x128xi32, #tpu.memory_space<vmem>>, %arg8: memref<80x128xi32, #tpu.memory_space<vmem>>, %arg9: memref<128x128xf32, #tpu.memory_space<vmem>>, %arg10: memref<10240x128xf32, #tpu.memory_space<vmem_shared>>, %arg11: memref<!tpu.dma_semaphore, #tpu.memory_space<semaphore_mem>>) attributes {dimension_semantics = [#tpu.dimension_semantics<core_parallel>, #tpu.dimension_semantics<subcore_parallel>], iteration_bounds = array<i64: 2, 16>, scalar_prefetch = 0 : i64, scratch_operands = 5 : i64, tpu.core_type = #tpu.core_type<sc_vector_subcore>, window_params = [{transform_indices = #map}, {transform_indices = #map1}, {transform_indices = #map1}, {transform_indices = #map}, {transform_indices = #map1}]} {
    %mul3A = arith.constant 2 : i32
    %mul3A_0 = arith.muli %arg1, %mul3A : i32
    %add3A = arith.addi %mul3A_0, %arg0 : i32
    %mul3A_1 = arith.constant 640 : i32
    %mul3A_2 = arith.muli %arg1, %mul3A_1 : i32
    "tpu.region"() ({
      %run_scoped3A = tpu.sem_alloc : memref<!tpu.dma_semaphore, #tpu.memory_space<semaphore_mem>>
      %dma_start3A = arith.constant 0 : i32
      %dma_start3A_13 = tpu.memref_slice %arg10[%mul3A_2, %dma_start3A] : memref<10240x128xf32, #tpu.memory_space<vmem_shared>> -> memref<640x128xf32, #tpu.memory_space<vmem_shared>>
      tpu.enqueue_dma source(%arg5 : memref<640x128xf32, #tpu.memory_space<hbm>>) target(%dma_start3A_13 : memref<640x128xf32, #tpu.memory_space<vmem_shared>>) target_semaphore(%run_scoped3A : memref<!tpu.dma_semaphore, #tpu.memory_space<semaphore_mem>>)
      %dma_wait3A = arith.constant 0 : i32
      %dma_wait3A_14 = tpu.memref_slice %arg10[%mul3A_2, %dma_wait3A] : memref<10240x128xf32, #tpu.memory_space<vmem_shared>> -> memref<640x128xf32, #tpu.memory_space<vmem_shared>>
      tpu.wait_dma2 semaphore(%run_scoped3A : memref<!tpu.dma_semaphore, #tpu.memory_space<semaphore_mem>>) src(%arg5 : memref<640x128xf32, #tpu.memory_space<hbm>>) dst(%dma_wait3A_14 : memref<640x128xf32, #tpu.memory_space<vmem_shared>>)
      tpu.yield
    }) : () -> ()
    %barrier3A = arith.constant 0 : index
    tpu.barrier barrier_id(%barrier3A)
    "tpu.region"() ({
      %run_scoped3A = tpu.sem_alloc : memref<!tpu.dma_semaphore, #tpu.memory_space<semaphore_mem>>
      %dma_start3A = arith.constant 0 : i32
      %dma_start3A_13 = arith.constant 0 : i32
      %dma_start3A_14 = tpu.memref_slice %arg3[%add3A, %dma_start3A, %dma_start3A_13] : memref<32x80x128xi32, #tpu.memory_space<hbm>> -> memref<1x80x128xi32, #tpu.memory_space<hbm>>
      %dma_start3A_15 = tpu.memref_squeeze %dma_start3A_14 : memref<1x80x128xi32, #tpu.memory_space<hbm>> -> memref<80x128xi32, #tpu.memory_space<hbm>>
      %dma_start3A_16 = arith.constant 0 : i32
      %dma_start3A_17 = arith.constant 0 : i32
      %dma_start3A_18 = tpu.memref_slice %arg3[%add3A, %dma_start3A_16, %dma_start3A_17] : memref<32x80x128xi32, #tpu.memory_space<hbm>> -> memref<1x80x128xi32, #tpu.memory_space<hbm>>
      %dma_start3A_19 = tpu.memref_squeeze %dma_start3A_18 : memref<1x80x128xi32, #tpu.memory_space<hbm>> -> memref<80x128xi32, #tpu.memory_space<hbm>>
      tpu.enqueue_dma source(%dma_start3A_19 : memref<80x128xi32, #tpu.memory_space<hbm>>) target(%arg7 : memref<80x128xi32, #tpu.memory_space<vmem>>) target_semaphore(%run_scoped3A : memref<!tpu.dma_semaphore, #tpu.memory_space<semaphore_mem>>)
      %dma_wait3A = arith.constant 0 : i32
      %dma_wait3A_20 = arith.constant 0 : i32
      %dma_wait3A_21 = tpu.memref_slice %arg3[%add3A, %dma_wait3A, %dma_wait3A_20] : memref<32x80x128xi32, #tpu.memory_space<hbm>> -> memref<1x80x128xi32, #tpu.memory_space<hbm>>
      %dma_wait3A_22 = tpu.memref_squeeze %dma_wait3A_21 : memref<1x80x128xi32, #tpu.memory_space<hbm>> -> memref<80x128xi32, #tpu.memory_space<hbm>>
      %dma_wait3A_23 = arith.constant 0 : i32
      %dma_wait3A_24 = arith.constant 0 : i32
      %dma_wait3A_25 = tpu.memref_slice %arg3[%add3A, %dma_wait3A_23, %dma_wait3A_24] : memref<32x80x128xi32, #tpu.memory_space<hbm>> -> memref<1x80x128xi32, #tpu.memory_space<hbm>>
      %dma_wait3A_26 = tpu.memref_squeeze %dma_wait3A_25 : memref<1x80x128xi32, #tpu.memory_space<hbm>> -> memref<80x128xi32, #tpu.memory_space<hbm>>
      tpu.wait_dma2 semaphore(%run_scoped3A : memref<!tpu.dma_semaphore, #tpu.memory_space<semaphore_mem>>) src(%dma_wait3A_26 : memref<80x128xi32, #tpu.memory_space<hbm>>) dst(%arg7 : memref<80x128xi32, #tpu.memory_space<vmem>>)
      tpu.yield
    }) : () -> ()
    "tpu.region"() ({
      %run_scoped3A = tpu.sem_alloc : memref<!tpu.dma_semaphore, #tpu.memory_space<semaphore_mem>>
      %dma_start3A = arith.constant 0 : i32
      %dma_start3A_13 = arith.constant 0 : i32
      %dma_start3A_14 = tpu.memref_slice %arg4[%add3A, %dma_start3A, %dma_start3A_13] : memref<32x80x128xi32, #tpu.memory_space<hbm>> -> memref<1x80x128xi32, #tpu.memory_space<hbm>>
      %dma_start3A_15 = tpu.memref_squeeze %dma_start3A_14 : memref<1x80x128xi32, #tpu.memory_space<hbm>> -> memref<80x128xi32, #tpu.memory_space<hbm>>
      %dma_start3A_16 = arith.constant 0 : i32
      %dma_start3A_17 = arith.constant 0 : i32
      %dma_start3A_18 = tpu.memref_slice %arg4[%add3A, %dma_start3A_16, %dma_start3A_17] : memref<32x80x128xi32, #tpu.memory_space<hbm>> -> memref<1x80x128xi32, #tpu.memory_space<hbm>>
      %dma_start3A_19 = tpu.memref_squeeze %dma_start3A_18 : memref<1x80x128xi32, #tpu.memory_space<hbm>> -> memref<80x128xi32, #tpu.memory_space<hbm>>
      tpu.enqueue_dma source(%dma_start3A_19 : memref<80x128xi32, #tpu.memory_space<hbm>>) target(%arg8 : memref<80x128xi32, #tpu.memory_space<vmem>>) target_semaphore(%run_scoped3A : memref<!tpu.dma_semaphore, #tpu.memory_space<semaphore_mem>>)
      %dma_wait3A = arith.constant 0 : i32
      %dma_wait3A_20 = arith.constant 0 : i32
      %dma_wait3A_21 = tpu.memref_slice %arg4[%add3A, %dma_wait3A, %dma_wait3A_20] : memref<32x80x128xi32, #tpu.memory_space<hbm>> -> memref<1x80x128xi32, #tpu.memory_space<hbm>>
      %dma_wait3A_22 = tpu.memref_squeeze %dma_wait3A_21 : memref<1x80x128xi32, #tpu.memory_space<hbm>> -> memref<80x128xi32, #tpu.memory_space<hbm>>
      %dma_wait3A_23 = arith.constant 0 : i32
      %dma_wait3A_24 = arith.constant 0 : i32
      %dma_wait3A_25 = tpu.memref_slice %arg4[%add3A, %dma_wait3A_23, %dma_wait3A_24] : memref<32x80x128xi32, #tpu.memory_space<hbm>> -> memref<1x80x128xi32, #tpu.memory_space<hbm>>
      %dma_wait3A_26 = tpu.memref_squeeze %dma_wait3A_25 : memref<1x80x128xi32, #tpu.memory_space<hbm>> -> memref<80x128xi32, #tpu.memory_space<hbm>>
      tpu.wait_dma2 semaphore(%run_scoped3A : memref<!tpu.dma_semaphore, #tpu.memory_space<semaphore_mem>>) src(%dma_wait3A_26 : memref<80x128xi32, #tpu.memory_space<hbm>>) dst(%arg8 : memref<80x128xi32, #tpu.memory_space<vmem>>)
      tpu.yield
    }) : () -> ()
    %scan3A = arith.constant 0 : i32
    %scan3A_3 = arith.constant 0 : i32
    %scan3A_4 = arith.constant 80 : i32
    %scan3A_5 = arith.addi %scan3A_3, %scan3A_4 : i32
    %scan3A_6 = arith.constant 1 : i32
    scf.for %scan3A_13 = %scan3A_3 to %scan3A_5 step %scan3A_6  : i32 {
      %dma_start3A = arith.constant 0 : i32
      %dma_start3A_14 = tpu.memref_slice %arg7[%scan3A_13, %dma_start3A] : memref<80x128xi32, #tpu.memory_space<vmem>> -> memref<1x128xi32, #tpu.memory_space<vmem>>
      %dma_start3A_15 = tpu.memref_squeeze %dma_start3A_14 : memref<1x128xi32, #tpu.memory_space<vmem>> -> memref<128xi32, #tpu.memory_space<vmem>>
      %dma_start3A_16 = arith.constant 0 : i32
      %dma_start3A_17 = arith.constant 0 : i32
      %dma_start3A_18 = tpu.memref_slice %arg2[%dma_start3A_16, %dma_start3A_17] : memref<10240x128xf32, #tpu.memory_space<hbm>> -> memref<10240x128xf32, #tpu.memory_space<hbm>>
      tpu.enqueue_indirect_dma source(%dma_start3A_18 : memref<10240x128xf32, #tpu.memory_space<hbm>>) target(%arg9 : memref<128x128xf32, #tpu.memory_space<vmem>>) offsets(%dma_start3A_15 : memref<128xi32, #tpu.memory_space<vmem>>) semaphore(%arg11 : memref<!tpu.dma_semaphore, #tpu.memory_space<semaphore_mem>>)
      %dma_wait3A = arith.constant 0 : i32
      %dma_wait3A_19 = tpu.memref_slice %arg7[%scan3A_13, %dma_wait3A] : memref<80x128xi32, #tpu.memory_space<vmem>> -> memref<1x128xi32, #tpu.memory_space<vmem>>
      %dma_wait3A_20 = tpu.memref_squeeze %dma_wait3A_19 : memref<1x128xi32, #tpu.memory_space<vmem>> -> memref<128xi32, #tpu.memory_space<vmem>>
      %dma_wait3A_21 = arith.constant 0 : i32
      %dma_wait3A_22 = arith.constant 0 : i32
      %dma_wait3A_23 = tpu.memref_slice %arg2[%dma_wait3A_21, %dma_wait3A_22] : memref<10240x128xf32, #tpu.memory_space<hbm>> -> memref<10240x128xf32, #tpu.memory_space<hbm>>
      tpu.wait_indirect_dma semaphore(%arg11 : memref<!tpu.dma_semaphore, #tpu.memory_space<semaphore_mem>>) src(%dma_wait3A_23 : memref<10240x128xf32, #tpu.memory_space<hbm>>) dst(%arg9 : memref<128x128xf32, #tpu.memory_space<vmem>>)
      "tpu.region"() ({
        %run_scoped3A = tpu.sem_alloc : memref<!tpu.dma_semaphore, #tpu.memory_space<semaphore_mem>>
        %dma_start3A_24 = arith.constant 0 : i32
        %dma_start3A_25 = tpu.memref_slice %arg8[%scan3A_13, %dma_start3A_24] : memref<80x128xi32, #tpu.memory_space<vmem>> -> memref<1x128xi32, #tpu.memory_space<vmem>>
        %dma_start3A_26 = tpu.memref_squeeze %dma_start3A_25 : memref<1x128xi32, #tpu.memory_space<vmem>> -> memref<128xi32, #tpu.memory_space<vmem>>
        %dma_start3A_27 = arith.constant 0 : i32
        %dma_start3A_28 = arith.constant 0 : i32
        %dma_start3A_29 = tpu.memref_slice %arg10[%dma_start3A_27, %dma_start3A_28] : memref<10240x128xf32, #tpu.memory_space<vmem_shared>> -> memref<10240x128xf32, #tpu.memory_space<vmem_shared>>
        tpu.enqueue_indirect_dma source(%arg9 : memref<128x128xf32, #tpu.memory_space<vmem>>) target(%dma_start3A_29 : memref<10240x128xf32, #tpu.memory_space<vmem_shared>>) offsets(%dma_start3A_26 : memref<128xi32, #tpu.memory_space<vmem>>) semaphore(%run_scoped3A : memref<!tpu.dma_semaphore, #tpu.memory_space<semaphore_mem>>) {add = true}
        %dma_wait3A_30 = arith.constant 0 : i32
        %dma_wait3A_31 = tpu.memref_slice %arg8[%scan3A_13, %dma_wait3A_30] : memref<80x128xi32, #tpu.memory_space<vmem>> -> memref<1x128xi32, #tpu.memory_space<vmem>>
        %dma_wait3A_32 = tpu.memref_squeeze %dma_wait3A_31 : memref<1x128xi32, #tpu.memory_space<vmem>> -> memref<128xi32, #tpu.memory_space<vmem>>
        %dma_wait3A_33 = arith.constant 0 : i32
        %dma_wait3A_34 = arith.constant 0 : i32
        %dma_wait3A_35 = tpu.memref_slice %arg10[%dma_wait3A_33, %dma_wait3A_34] : memref<10240x128xf32, #tpu.memory_space<vmem_shared>> -> memref<10240x128xf32, #tpu.memory_space<vmem_shared>>
        tpu.wait_indirect_dma semaphore(%run_scoped3A : memref<!tpu.dma_semaphore, #tpu.memory_space<semaphore_mem>>) src(%arg9 : memref<128x128xf32, #tpu.memory_space<vmem>>) dst(%dma_wait3A_35 : memref<10240x128xf32, #tpu.memory_space<vmem_shared>>)
        tpu.yield
      }) : () -> ()
    }
    %scan3A_7 = arith.constant 80 : i32
    %barrier3A_8 = arith.constant 0 : index
    tpu.barrier barrier_id(%barrier3A_8)
    %mul3A_9 = arith.constant 640 : i32
    %mul3A_10 = arith.muli %arg1, %mul3A_9 : i32
    %mul3A_11 = arith.constant 640 : i32
    %mul3A_12 = arith.muli %arg1, %mul3A_11 : i32
    "tpu.region"() ({
      %run_scoped3A = tpu.sem_alloc : memref<!tpu.dma_semaphore, #tpu.memory_space<semaphore_mem>>
      %dma_start3A = arith.constant 0 : i32
      %dma_start3A_13 = tpu.memref_slice %arg6[%arg0, %mul3A_12, %dma_start3A] : memref<2x10240x128xf32, #tpu.memory_space<hbm>> -> memref<1x640x128xf32, #tpu.memory_space<hbm>>
      %dma_start3A_14 = tpu.memref_squeeze %dma_start3A_13 : memref<1x640x128xf32, #tpu.memory_space<hbm>> -> memref<640x128xf32, #tpu.memory_space<hbm>>
      %dma_start3A_15 = arith.constant 0 : i32
      %dma_start3A_16 = tpu.memref_slice %arg10[%mul3A_10, %dma_start3A_15] : memref<10240x128xf32, #tpu.memory_space<vmem_shared>> -> memref<640x128xf32, #tpu.memory_space<vmem_shared>>
      tpu.enqueue_dma source(%dma_start3A_16 : memref<640x128xf32, #tpu.memory_space<vmem_shared>>) target(%dma_start3A_14 : memref<640x128xf32, #tpu.memory_space<hbm>>) target_semaphore(%run_scoped3A : memref<!tpu.dma_semaphore, #tpu.memory_space<semaphore_mem>>)
      %dma_wait3A = arith.constant 0 : i32
      %dma_wait3A_17 = tpu.memref_slice %arg6[%arg0, %mul3A_12, %dma_wait3A] : memref<2x10240x128xf32, #tpu.memory_space<hbm>> -> memref<1x640x128xf32, #tpu.memory_space<hbm>>
      %dma_wait3A_18 = tpu.memref_squeeze %dma_wait3A_17 : memref<1x640x128xf32, #tpu.memory_space<hbm>> -> memref<640x128xf32, #tpu.memory_space<hbm>>
      %dma_wait3A_19 = arith.constant 0 : i32
      %dma_wait3A_20 = tpu.memref_slice %arg10[%mul3A_10, %dma_wait3A_19] : memref<10240x128xf32, #tpu.memory_space<vmem_shared>> -> memref<640x128xf32, #tpu.memory_space<vmem_shared>>
      tpu.wait_dma2 semaphore(%run_scoped3A : memref<!tpu.dma_semaphore, #tpu.memory_space<semaphore_mem>>) src(%dma_wait3A_20 : memref<640x128xf32, #tpu.memory_space<vmem_shared>>) dst(%dma_wait3A_18 : memref<640x128xf32, #tpu.memory_space<hbm>>)
      tpu.yield
    }) : () -> ()
    return
  }
}

#map = affine_map<(d0, d1) -> (0, 0)>
#map1 = affine_map<(d0, d1) -> (0, 0, 0)>
module attributes {stable_mosaic.version = 14 : i64} {
  func.func @conv_kernel(%arg0: i32, %arg1: i32, %arg2: memref<10240x128xf32, #tpu.memory_space<hbm>>, %arg3: memref<32x80x128xi32, #tpu.memory_space<hbm>>, %arg4: memref<32x80x128xi32, #tpu.memory_space<hbm>>, %arg5: memref<640x128xf32, #tpu.memory_space<hbm>>, %arg6: memref<2x10240x128xf32, #tpu.memory_space<hbm>>, %arg7: memref<80x128xi32, #tpu.memory_space<vmem>>, %arg8: memref<80x128xi32, #tpu.memory_space<vmem>>, %arg9: memref<128x128xf32, #tpu.memory_space<vmem>>, %arg10: memref<10240x128xf32, #tpu.memory_space<vmem_shared>>, %arg11: memref<!tpu.dma_semaphore, #tpu.memory_space<semaphore_mem>>) attributes {dimension_semantics = [#tpu.dimension_semantics<core_parallel>, #tpu.dimension_semantics<subcore_parallel>], iteration_bounds = array<i64: 2, 16>, scalar_prefetch = 0 : i64, scratch_operands = 5 : i64, tpu.core_type = #tpu.core_type<sc_vector_subcore>, window_params = [{transform_indices = #map}, {transform_indices = #map1}, {transform_indices = #map1}, {transform_indices = #map}, {transform_indices = #map1}]} {
    %mul3A = arith.constant 2 : i32
    %mul3A_0 = arith.muli %arg1, %mul3A : i32
    %add3A = arith.addi %mul3A_0, %arg0 : i32
    %mul3A_1 = arith.constant 640 : i32
    %mul3A_2 = arith.muli %arg1, %mul3A_1 : i32
    "tpu.region"() ({
      %run_scoped3A = tpu.sem_alloc : memref<!tpu.dma_semaphore, #tpu.memory_space<semaphore_mem>>
      %dma_start3A = arith.constant 0 : i32
      %dma_start3A_13 = tpu.memref_slice %arg10[%mul3A_2, %dma_start3A] : memref<10240x128xf32, #tpu.memory_space<vmem_shared>> -> memref<640x128xf32, #tpu.memory_space<vmem_shared>>
      tpu.enqueue_dma source(%arg5 : memref<640x128xf32, #tpu.memory_space<hbm>>) target(%dma_start3A_13 : memref<640x128xf32, #tpu.memory_space<vmem_shared>>) target_semaphore(%run_scoped3A : memref<!tpu.dma_semaphore, #tpu.memory_space<semaphore_mem>>)
      %dma_wait3A = arith.constant 0 : i32
      %dma_wait3A_14 = tpu.memref_slice %arg10[%mul3A_2, %dma_wait3A] : memref<10240x128xf32, #tpu.memory_space<vmem_shared>> -> memref<640x128xf32, #tpu.memory_space<vmem_shared>>
      tpu.wait_dma2 semaphore(%run_scoped3A : memref<!tpu.dma_semaphore, #tpu.memory_space<semaphore_mem>>) src(%arg5 : memref<640x128xf32, #tpu.memory_space<hbm>>) dst(%dma_wait3A_14 : memref<640x128xf32, #tpu.memory_space<vmem_shared>>)
      tpu.yield
    }) : () -> ()
    %barrier3A = arith.constant 0 : index
    tpu.barrier barrier_id(%barrier3A)
    "tpu.region"() ({
      %run_scoped3A = tpu.sem_alloc : memref<!tpu.dma_semaphore, #tpu.memory_space<semaphore_mem>>
      %dma_start3A = arith.constant 0 : i32
      %dma_start3A_13 = arith.constant 0 : i32
      %dma_start3A_14 = tpu.memref_slice %arg3[%add3A, %dma_start3A, %dma_start3A_13] : memref<32x80x128xi32, #tpu.memory_space<hbm>> -> memref<1x80x128xi32, #tpu.memory_space<hbm>>
      %dma_start3A_15 = tpu.memref_squeeze %dma_start3A_14 : memref<1x80x128xi32, #tpu.memory_space<hbm>> -> memref<80x128xi32, #tpu.memory_space<hbm>>
      %dma_start3A_16 = arith.constant 0 : i32
      %dma_start3A_17 = arith.constant 0 : i32
      %dma_start3A_18 = tpu.memref_slice %arg3[%add3A, %dma_start3A_16, %dma_start3A_17] : memref<32x80x128xi32, #tpu.memory_space<hbm>> -> memref<1x80x128xi32, #tpu.memory_space<hbm>>
      %dma_start3A_19 = tpu.memref_squeeze %dma_start3A_18 : memref<1x80x128xi32, #tpu.memory_space<hbm>> -> memref<80x128xi32, #tpu.memory_space<hbm>>
      tpu.enqueue_dma source(%dma_start3A_19 : memref<80x128xi32, #tpu.memory_space<hbm>>) target(%arg7 : memref<80x128xi32, #tpu.memory_space<vmem>>) target_semaphore(%run_scoped3A : memref<!tpu.dma_semaphore, #tpu.memory_space<semaphore_mem>>)
      %dma_wait3A = arith.constant 0 : i32
      %dma_wait3A_20 = arith.constant 0 : i32
      %dma_wait3A_21 = tpu.memref_slice %arg3[%add3A, %dma_wait3A, %dma_wait3A_20] : memref<32x80x128xi32, #tpu.memory_space<hbm>> -> memref<1x80x128xi32, #tpu.memory_space<hbm>>
      %dma_wait3A_22 = tpu.memref_squeeze %dma_wait3A_21 : memref<1x80x128xi32, #tpu.memory_space<hbm>> -> memref<80x128xi32, #tpu.memory_space<hbm>>
      %dma_wait3A_23 = arith.constant 0 : i32
      %dma_wait3A_24 = arith.constant 0 : i32
      %dma_wait3A_25 = tpu.memref_slice %arg3[%add3A, %dma_wait3A_23, %dma_wait3A_24] : memref<32x80x128xi32, #tpu.memory_space<hbm>> -> memref<1x80x128xi32, #tpu.memory_space<hbm>>
      %dma_wait3A_26 = tpu.memref_squeeze %dma_wait3A_25 : memref<1x80x128xi32, #tpu.memory_space<hbm>> -> memref<80x128xi32, #tpu.memory_space<hbm>>
      tpu.wait_dma2 semaphore(%run_scoped3A : memref<!tpu.dma_semaphore, #tpu.memory_space<semaphore_mem>>) src(%dma_wait3A_26 : memref<80x128xi32, #tpu.memory_space<hbm>>) dst(%arg7 : memref<80x128xi32, #tpu.memory_space<vmem>>)
      tpu.yield
    }) : () -> ()
    "tpu.region"() ({
      %run_scoped3A = tpu.sem_alloc : memref<!tpu.dma_semaphore, #tpu.memory_space<semaphore_mem>>
      %dma_start3A = arith.constant 0 : i32
      %dma_start3A_13 = arith.constant 0 : i32
      %dma_start3A_14 = tpu.memref_slice %arg4[%add3A, %dma_start3A, %dma_start3A_13] : memref<32x80x128xi32, #tpu.memory_space<hbm>> -> memref<1x80x128xi32, #tpu.memory_space<hbm>>
      %dma_start3A_15 = tpu.memref_squeeze %dma_start3A_14 : memref<1x80x128xi32, #tpu.memory_space<hbm>> -> memref<80x128xi32, #tpu.memory_space<hbm>>
      %dma_start3A_16 = arith.constant 0 : i32
      %dma_start3A_17 = arith.constant 0 : i32
      %dma_start3A_18 = tpu.memref_slice %arg4[%add3A, %dma_start3A_16, %dma_start3A_17] : memref<32x80x128xi32, #tpu.memory_space<hbm>> -> memref<1x80x128xi32, #tpu.memory_space<hbm>>
      %dma_start3A_19 = tpu.memref_squeeze %dma_start3A_18 : memref<1x80x128xi32, #tpu.memory_space<hbm>> -> memref<80x128xi32, #tpu.memory_space<hbm>>
      tpu.enqueue_dma source(%dma_start3A_19 : memref<80x128xi32, #tpu.memory_space<hbm>>) target(%arg8 : memref<80x128xi32, #tpu.memory_space<vmem>>) target_semaphore(%run_scoped3A : memref<!tpu.dma_semaphore, #tpu.memory_space<semaphore_mem>>)
      %dma_wait3A = arith.constant 0 : i32
      %dma_wait3A_20 = arith.constant 0 : i32
      %dma_wait3A_21 = tpu.memref_slice %arg4[%add3A, %dma_wait3A, %dma_wait3A_20] : memref<32x80x128xi32, #tpu.memory_space<hbm>> -> memref<1x80x128xi32, #tpu.memory_space<hbm>>
      %dma_wait3A_22 = tpu.memref_squeeze %dma_wait3A_21 : memref<1x80x128xi32, #tpu.memory_space<hbm>> -> memref<80x128xi32, #tpu.memory_space<hbm>>
      %dma_wait3A_23 = arith.constant 0 : i32
      %dma_wait3A_24 = arith.constant 0 : i32
      %dma_wait3A_25 = tpu.memref_slice %arg4[%add3A, %dma_wait3A_23, %dma_wait3A_24] : memref<32x80x128xi32, #tpu.memory_space<hbm>> -> memref<1x80x128xi32, #tpu.memory_space<hbm>>
      %dma_wait3A_26 = tpu.memref_squeeze %dma_wait3A_25 : memref<1x80x128xi32, #tpu.memory_space<hbm>> -> memref<80x128xi32, #tpu.memory_space<hbm>>
      tpu.wait_dma2 semaphore(%run_scoped3A : memref<!tpu.dma_semaphore, #tpu.memory_space<semaphore_mem>>) src(%dma_wait3A_26 : memref<80x128xi32, #tpu.memory_space<hbm>>) dst(%arg8 : memref<80x128xi32, #tpu.memory_space<vmem>>)
      tpu.yield
    }) : () -> ()
    %scan3A = arith.constant 0 : i32
    %scan3A_3 = arith.constant 0 : i32
    %scan3A_4 = arith.constant 80 : i32
    %scan3A_5 = arith.addi %scan3A_3, %scan3A_4 : i32
    %scan3A_6 = arith.constant 1 : i32
    scf.for %scan3A_13 = %scan3A_3 to %scan3A_5 step %scan3A_6  : i32 {
      %dma_start3A = arith.constant 0 : i32
      %dma_start3A_14 = tpu.memref_slice %arg7[%scan3A_13, %dma_start3A] : memref<80x128xi32, #tpu.memory_space<vmem>> -> memref<1x128xi32, #tpu.memory_space<vmem>>
      %dma_start3A_15 = tpu.memref_squeeze %dma_start3A_14 : memref<1x128xi32, #tpu.memory_space<vmem>> -> memref<128xi32, #tpu.memory_space<vmem>>
      %dma_start3A_16 = arith.constant 0 : i32
      %dma_start3A_17 = arith.constant 0 : i32
      %dma_start3A_18 = tpu.memref_slice %arg2[%dma_start3A_16, %dma_start3A_17] : memref<10240x128xf32, #tpu.memory_space<hbm>> -> memref<10240x128xf32, #tpu.memory_space<hbm>>
      tpu.enqueue_indirect_dma source(%dma_start3A_18 : memref<10240x128xf32, #tpu.memory_space<hbm>>) target(%arg9 : memref<128x128xf32, #tpu.memory_space<vmem>>) offsets(%dma_start3A_15 : memref<128xi32, #tpu.memory_space<vmem>>) semaphore(%arg11 : memref<!tpu.dma_semaphore, #tpu.memory_space<semaphore_mem>>)
      %dma_wait3A = arith.constant 0 : i32
      %dma_wait3A_19 = tpu.memref_slice %arg7[%scan3A_13, %dma_wait3A] : memref<80x128xi32, #tpu.memory_space<vmem>> -> memref<1x128xi32, #tpu.memory_space<vmem>>
      %dma_wait3A_20 = tpu.memref_squeeze %dma_wait3A_19 : memref<1x128xi32, #tpu.memory_space<vmem>> -> memref<128xi32, #tpu.memory_space<vmem>>
      %dma_wait3A_21 = arith.constant 0 : i32
      %dma_wait3A_22 = arith.constant 0 : i32
      %dma_wait3A_23 = tpu.memref_slice %arg2[%dma_wait3A_21, %dma_wait3A_22] : memref<10240x128xf32, #tpu.memory_space<hbm>> -> memref<10240x128xf32, #tpu.memory_space<hbm>>
      tpu.wait_indirect_dma semaphore(%arg11 : memref<!tpu.dma_semaphore, #tpu.memory_space<semaphore_mem>>) src(%dma_wait3A_23 : memref<10240x128xf32, #tpu.memory_space<hbm>>) dst(%arg9 : memref<128x128xf32, #tpu.memory_space<vmem>>)
      "tpu.region"() ({
        %run_scoped3A = tpu.sem_alloc : memref<!tpu.dma_semaphore, #tpu.memory_space<semaphore_mem>>
        %dma_start3A_24 = arith.constant 0 : i32
        %dma_start3A_25 = tpu.memref_slice %arg8[%scan3A_13, %dma_start3A_24] : memref<80x128xi32, #tpu.memory_space<vmem>> -> memref<1x128xi32, #tpu.memory_space<vmem>>
        %dma_start3A_26 = tpu.memref_squeeze %dma_start3A_25 : memref<1x128xi32, #tpu.memory_space<vmem>> -> memref<128xi32, #tpu.memory_space<vmem>>
        %dma_start3A_27 = arith.constant 0 : i32
        %dma_start3A_28 = arith.constant 0 : i32
        %dma_start3A_29 = tpu.memref_slice %arg10[%dma_start3A_27, %dma_start3A_28] : memref<10240x128xf32, #tpu.memory_space<vmem_shared>> -> memref<10240x128xf32, #tpu.memory_space<vmem_shared>>
        tpu.enqueue_indirect_dma source(%arg9 : memref<128x128xf32, #tpu.memory_space<vmem>>) target(%dma_start3A_29 : memref<10240x128xf32, #tpu.memory_space<vmem_shared>>) offsets(%dma_start3A_26 : memref<128xi32, #tpu.memory_space<vmem>>) semaphore(%run_scoped3A : memref<!tpu.dma_semaphore, #tpu.memory_space<semaphore_mem>>) {add = true}
        %dma_wait3A_30 = arith.constant 0 : i32
        %dma_wait3A_31 = tpu.memref_slice %arg8[%scan3A_13, %dma_wait3A_30] : memref<80x128xi32, #tpu.memory_space<vmem>> -> memref<1x128xi32, #tpu.memory_space<vmem>>
        %dma_wait3A_32 = tpu.memref_squeeze %dma_wait3A_31 : memref<1x128xi32, #tpu.memory_space<vmem>> -> memref<128xi32, #tpu.memory_space<vmem>>
        %dma_wait3A_33 = arith.constant 0 : i32
        %dma_wait3A_34 = arith.constant 0 : i32
        %dma_wait3A_35 = tpu.memref_slice %arg10[%dma_wait3A_33, %dma_wait3A_34] : memref<10240x128xf32, #tpu.memory_space<vmem_shared>> -> memref<10240x128xf32, #tpu.memory_space<vmem_shared>>
        tpu.wait_indirect_dma semaphore(%run_scoped3A : memref<!tpu.dma_semaphore, #tpu.memory_space<semaphore_mem>>) src(%arg9 : memref<128x128xf32, #tpu.memory_space<vmem>>) dst(%dma_wait3A_35 : memref<10240x128xf32, #tpu.memory_space<vmem_shared>>)
        tpu.yield
      }) : () -> ()
    }
    %scan3A_7 = arith.constant 80 : i32
    %barrier3A_8 = arith.constant 0 : index
    tpu.barrier barrier_id(%barrier3A_8)
    %mul3A_9 = arith.constant 640 : i32
    %mul3A_10 = arith.muli %arg1, %mul3A_9 : i32
    %mul3A_11 = arith.constant 640 : i32
    %mul3A_12 = arith.muli %arg1, %mul3A_11 : i32
    "tpu.region"() ({
      %run_scoped3A = tpu.sem_alloc : memref<!tpu.dma_semaphore, #tpu.memory_space<semaphore_mem>>
      %dma_start3A = arith.constant 0 : i32
      %dma_start3A_13 = tpu.memref_slice %arg6[%arg0, %mul3A_12, %dma_start3A] : memref<2x10240x128xf32, #tpu.memory_space<hbm>> -> memref<1x640x128xf32, #tpu.memory_space<hbm>>
      %dma_start3A_14 = tpu.memref_squeeze %dma_start3A_13 : memref<1x640x128xf32, #tpu.memory_space<hbm>> -> memref<640x128xf32, #tpu.memory_space<hbm>>
      %dma_start3A_15 = arith.constant 0 : i32
      %dma_start3A_16 = tpu.memref_slice %arg10[%mul3A_10, %dma_start3A_15] : memref<10240x128xf32, #tpu.memory_space<vmem_shared>> -> memref<640x128xf32, #tpu.memory_space<vmem_shared>>
      tpu.enqueue_dma source(%dma_start3A_16 : memref<640x128xf32, #tpu.memory_space<vmem_shared>>) target(%dma_start3A_14 : memref<640x128xf32, #tpu.memory_space<hbm>>) target_semaphore(%run_scoped3A : memref<!tpu.dma_semaphore, #tpu.memory_space<semaphore_mem>>)
      %dma_wait3A = arith.constant 0 : i32
      %dma_wait3A_17 = tpu.memref_slice %arg6[%arg0, %mul3A_12, %dma_wait3A] : memref<2x10240x128xf32, #tpu.memory_space<hbm>> -> memref<1x640x128xf32, #tpu.memory_space<hbm>>
      %dma_wait3A_18 = tpu.memref_squeeze %dma_wait3A_17 : memref<1x640x128xf32, #tpu.memory_space<hbm>> -> memref<640x128xf32, #tpu.memory_space<hbm>>
      %dma_wait3A_19 = arith.constant 0 : i32
      %dma_wait3A_20 = tpu.memref_slice %arg10[%mul3A_10, %dma_wait3A_19] : memref<10240x128xf32, #tpu.memory_space<vmem_shared>> -> memref<640x128xf32, #tpu.memory_space<vmem_shared>>
      tpu.wait_dma2 semaphore(%run_scoped3A : memref<!tpu.dma_semaphore, #tpu.memory_space<semaphore_mem>>) src(%dma_wait3A_20 : memref<640x128xf32, #tpu.memory_space<vmem_shared>>) dst(%dma_wait3A_18 : memref<640x128xf32, #tpu.memory_space<hbm>>)
      tpu.yield
    }) : () -> ()
    return
  }
}

#map = affine_map<(d0, d1) -> (0, 0)>
#map1 = affine_map<(d0, d1) -> (0, 0, 0)>
module attributes {stable_mosaic.version = 14 : i64} {
  func.func @conv_kernel(%arg0: i32, %arg1: i32, %arg2: memref<10240x128xf32, #tpu.memory_space<hbm>>, %arg3: memref<32x80x128xi32, #tpu.memory_space<hbm>>, %arg4: memref<32x80x128xi32, #tpu.memory_space<hbm>>, %arg5: memref<640x128xf32, #tpu.memory_space<hbm>>, %arg6: memref<2x10240x128xf32, #tpu.memory_space<hbm>>, %arg7: memref<80x128xi32, #tpu.memory_space<vmem>>, %arg8: memref<80x128xi32, #tpu.memory_space<vmem>>, %arg9: memref<128x128xf32, #tpu.memory_space<vmem>>, %arg10: memref<10240x128xf32, #tpu.memory_space<vmem_shared>>, %arg11: memref<!tpu.dma_semaphore, #tpu.memory_space<semaphore_mem>>) attributes {dimension_semantics = [#tpu.dimension_semantics<core_parallel>, #tpu.dimension_semantics<subcore_parallel>], iteration_bounds = array<i64: 2, 16>, scalar_prefetch = 0 : i64, scratch_operands = 5 : i64, tpu.core_type = #tpu.core_type<sc_vector_subcore>, window_params = [{transform_indices = #map}, {transform_indices = #map1}, {transform_indices = #map1}, {transform_indices = #map}, {transform_indices = #map1}]} {
    %mul3A = arith.constant 2 : i32
    %mul3A_0 = arith.muli %arg1, %mul3A : i32
    %add3A = arith.addi %mul3A_0, %arg0 : i32
    %mul3A_1 = arith.constant 640 : i32
    %mul3A_2 = arith.muli %arg1, %mul3A_1 : i32
    "tpu.region"() ({
      %run_scoped3A = tpu.sem_alloc : memref<!tpu.dma_semaphore, #tpu.memory_space<semaphore_mem>>
      %dma_start3A = arith.constant 0 : i32
      %dma_start3A_13 = tpu.memref_slice %arg10[%mul3A_2, %dma_start3A] : memref<10240x128xf32, #tpu.memory_space<vmem_shared>> -> memref<640x128xf32, #tpu.memory_space<vmem_shared>>
      tpu.enqueue_dma source(%arg5 : memref<640x128xf32, #tpu.memory_space<hbm>>) target(%dma_start3A_13 : memref<640x128xf32, #tpu.memory_space<vmem_shared>>) target_semaphore(%run_scoped3A : memref<!tpu.dma_semaphore, #tpu.memory_space<semaphore_mem>>)
      %dma_wait3A = arith.constant 0 : i32
      %dma_wait3A_14 = tpu.memref_slice %arg10[%mul3A_2, %dma_wait3A] : memref<10240x128xf32, #tpu.memory_space<vmem_shared>> -> memref<640x128xf32, #tpu.memory_space<vmem_shared>>
      tpu.wait_dma2 semaphore(%run_scoped3A : memref<!tpu.dma_semaphore, #tpu.memory_space<semaphore_mem>>) src(%arg5 : memref<640x128xf32, #tpu.memory_space<hbm>>) dst(%dma_wait3A_14 : memref<640x128xf32, #tpu.memory_space<vmem_shared>>)
      tpu.yield
    }) : () -> ()
    %barrier3A = arith.constant 0 : index
    tpu.barrier barrier_id(%barrier3A)
    "tpu.region"() ({
      %run_scoped3A = tpu.sem_alloc : memref<!tpu.dma_semaphore, #tpu.memory_space<semaphore_mem>>
      %dma_start3A = arith.constant 0 : i32
      %dma_start3A_13 = arith.constant 0 : i32
      %dma_start3A_14 = tpu.memref_slice %arg3[%add3A, %dma_start3A, %dma_start3A_13] : memref<32x80x128xi32, #tpu.memory_space<hbm>> -> memref<1x80x128xi32, #tpu.memory_space<hbm>>
      %dma_start3A_15 = tpu.memref_squeeze %dma_start3A_14 : memref<1x80x128xi32, #tpu.memory_space<hbm>> -> memref<80x128xi32, #tpu.memory_space<hbm>>
      %dma_start3A_16 = arith.constant 0 : i32
      %dma_start3A_17 = arith.constant 0 : i32
      %dma_start3A_18 = tpu.memref_slice %arg3[%add3A, %dma_start3A_16, %dma_start3A_17] : memref<32x80x128xi32, #tpu.memory_space<hbm>> -> memref<1x80x128xi32, #tpu.memory_space<hbm>>
      %dma_start3A_19 = tpu.memref_squeeze %dma_start3A_18 : memref<1x80x128xi32, #tpu.memory_space<hbm>> -> memref<80x128xi32, #tpu.memory_space<hbm>>
      tpu.enqueue_dma source(%dma_start3A_19 : memref<80x128xi32, #tpu.memory_space<hbm>>) target(%arg7 : memref<80x128xi32, #tpu.memory_space<vmem>>) target_semaphore(%run_scoped3A : memref<!tpu.dma_semaphore, #tpu.memory_space<semaphore_mem>>)
      %dma_wait3A = arith.constant 0 : i32
      %dma_wait3A_20 = arith.constant 0 : i32
      %dma_wait3A_21 = tpu.memref_slice %arg3[%add3A, %dma_wait3A, %dma_wait3A_20] : memref<32x80x128xi32, #tpu.memory_space<hbm>> -> memref<1x80x128xi32, #tpu.memory_space<hbm>>
      %dma_wait3A_22 = tpu.memref_squeeze %dma_wait3A_21 : memref<1x80x128xi32, #tpu.memory_space<hbm>> -> memref<80x128xi32, #tpu.memory_space<hbm>>
      %dma_wait3A_23 = arith.constant 0 : i32
      %dma_wait3A_24 = arith.constant 0 : i32
      %dma_wait3A_25 = tpu.memref_slice %arg3[%add3A, %dma_wait3A_23, %dma_wait3A_24] : memref<32x80x128xi32, #tpu.memory_space<hbm>> -> memref<1x80x128xi32, #tpu.memory_space<hbm>>
      %dma_wait3A_26 = tpu.memref_squeeze %dma_wait3A_25 : memref<1x80x128xi32, #tpu.memory_space<hbm>> -> memref<80x128xi32, #tpu.memory_space<hbm>>
      tpu.wait_dma2 semaphore(%run_scoped3A : memref<!tpu.dma_semaphore, #tpu.memory_space<semaphore_mem>>) src(%dma_wait3A_26 : memref<80x128xi32, #tpu.memory_space<hbm>>) dst(%arg7 : memref<80x128xi32, #tpu.memory_space<vmem>>)
      tpu.yield
    }) : () -> ()
    "tpu.region"() ({
      %run_scoped3A = tpu.sem_alloc : memref<!tpu.dma_semaphore, #tpu.memory_space<semaphore_mem>>
      %dma_start3A = arith.constant 0 : i32
      %dma_start3A_13 = arith.constant 0 : i32
      %dma_start3A_14 = tpu.memref_slice %arg4[%add3A, %dma_start3A, %dma_start3A_13] : memref<32x80x128xi32, #tpu.memory_space<hbm>> -> memref<1x80x128xi32, #tpu.memory_space<hbm>>
      %dma_start3A_15 = tpu.memref_squeeze %dma_start3A_14 : memref<1x80x128xi32, #tpu.memory_space<hbm>> -> memref<80x128xi32, #tpu.memory_space<hbm>>
      %dma_start3A_16 = arith.constant 0 : i32
      %dma_start3A_17 = arith.constant 0 : i32
      %dma_start3A_18 = tpu.memref_slice %arg4[%add3A, %dma_start3A_16, %dma_start3A_17] : memref<32x80x128xi32, #tpu.memory_space<hbm>> -> memref<1x80x128xi32, #tpu.memory_space<hbm>>
      %dma_start3A_19 = tpu.memref_squeeze %dma_start3A_18 : memref<1x80x128xi32, #tpu.memory_space<hbm>> -> memref<80x128xi32, #tpu.memory_space<hbm>>
      tpu.enqueue_dma source(%dma_start3A_19 : memref<80x128xi32, #tpu.memory_space<hbm>>) target(%arg8 : memref<80x128xi32, #tpu.memory_space<vmem>>) target_semaphore(%run_scoped3A : memref<!tpu.dma_semaphore, #tpu.memory_space<semaphore_mem>>)
      %dma_wait3A = arith.constant 0 : i32
      %dma_wait3A_20 = arith.constant 0 : i32
      %dma_wait3A_21 = tpu.memref_slice %arg4[%add3A, %dma_wait3A, %dma_wait3A_20] : memref<32x80x128xi32, #tpu.memory_space<hbm>> -> memref<1x80x128xi32, #tpu.memory_space<hbm>>
      %dma_wait3A_22 = tpu.memref_squeeze %dma_wait3A_21 : memref<1x80x128xi32, #tpu.memory_space<hbm>> -> memref<80x128xi32, #tpu.memory_space<hbm>>
      %dma_wait3A_23 = arith.constant 0 : i32
      %dma_wait3A_24 = arith.constant 0 : i32
      %dma_wait3A_25 = tpu.memref_slice %arg4[%add3A, %dma_wait3A_23, %dma_wait3A_24] : memref<32x80x128xi32, #tpu.memory_space<hbm>> -> memref<1x80x128xi32, #tpu.memory_space<hbm>>
      %dma_wait3A_26 = tpu.memref_squeeze %dma_wait3A_25 : memref<1x80x128xi32, #tpu.memory_space<hbm>> -> memref<80x128xi32, #tpu.memory_space<hbm>>
      tpu.wait_dma2 semaphore(%run_scoped3A : memref<!tpu.dma_semaphore, #tpu.memory_space<semaphore_mem>>) src(%dma_wait3A_26 : memref<80x128xi32, #tpu.memory_space<hbm>>) dst(%arg8 : memref<80x128xi32, #tpu.memory_space<vmem>>)
      tpu.yield
    }) : () -> ()
    %scan3A = arith.constant 0 : i32
    %scan3A_3 = arith.constant 0 : i32
    %scan3A_4 = arith.constant 80 : i32
    %scan3A_5 = arith.addi %scan3A_3, %scan3A_4 : i32
    %scan3A_6 = arith.constant 1 : i32
    scf.for %scan3A_13 = %scan3A_3 to %scan3A_5 step %scan3A_6  : i32 {
      %dma_start3A = arith.constant 0 : i32
      %dma_start3A_14 = tpu.memref_slice %arg7[%scan3A_13, %dma_start3A] : memref<80x128xi32, #tpu.memory_space<vmem>> -> memref<1x128xi32, #tpu.memory_space<vmem>>
      %dma_start3A_15 = tpu.memref_squeeze %dma_start3A_14 : memref<1x128xi32, #tpu.memory_space<vmem>> -> memref<128xi32, #tpu.memory_space<vmem>>
      %dma_start3A_16 = arith.constant 0 : i32
      %dma_start3A_17 = arith.constant 0 : i32
      %dma_start3A_18 = tpu.memref_slice %arg2[%dma_start3A_16, %dma_start3A_17] : memref<10240x128xf32, #tpu.memory_space<hbm>> -> memref<10240x128xf32, #tpu.memory_space<hbm>>
      tpu.enqueue_indirect_dma source(%dma_start3A_18 : memref<10240x128xf32, #tpu.memory_space<hbm>>) target(%arg9 : memref<128x128xf32, #tpu.memory_space<vmem>>) offsets(%dma_start3A_15 : memref<128xi32, #tpu.memory_space<vmem>>) semaphore(%arg11 : memref<!tpu.dma_semaphore, #tpu.memory_space<semaphore_mem>>)
      %dma_wait3A = arith.constant 0 : i32
      %dma_wait3A_19 = tpu.memref_slice %arg7[%scan3A_13, %dma_wait3A] : memref<80x128xi32, #tpu.memory_space<vmem>> -> memref<1x128xi32, #tpu.memory_space<vmem>>
      %dma_wait3A_20 = tpu.memref_squeeze %dma_wait3A_19 : memref<1x128xi32, #tpu.memory_space<vmem>> -> memref<128xi32, #tpu.memory_space<vmem>>
      %dma_wait3A_21 = arith.constant 0 : i32
      %dma_wait3A_22 = arith.constant 0 : i32
      %dma_wait3A_23 = tpu.memref_slice %arg2[%dma_wait3A_21, %dma_wait3A_22] : memref<10240x128xf32, #tpu.memory_space<hbm>> -> memref<10240x128xf32, #tpu.memory_space<hbm>>
      tpu.wait_indirect_dma semaphore(%arg11 : memref<!tpu.dma_semaphore, #tpu.memory_space<semaphore_mem>>) src(%dma_wait3A_23 : memref<10240x128xf32, #tpu.memory_space<hbm>>) dst(%arg9 : memref<128x128xf32, #tpu.memory_space<vmem>>)
      "tpu.region"() ({
        %run_scoped3A = tpu.sem_alloc : memref<!tpu.dma_semaphore, #tpu.memory_space<semaphore_mem>>
        %dma_start3A_24 = arith.constant 0 : i32
        %dma_start3A_25 = tpu.memref_slice %arg8[%scan3A_13, %dma_start3A_24] : memref<80x128xi32, #tpu.memory_space<vmem>> -> memref<1x128xi32, #tpu.memory_space<vmem>>
        %dma_start3A_26 = tpu.memref_squeeze %dma_start3A_25 : memref<1x128xi32, #tpu.memory_space<vmem>> -> memref<128xi32, #tpu.memory_space<vmem>>
        %dma_start3A_27 = arith.constant 0 : i32
        %dma_start3A_28 = arith.constant 0 : i32
        %dma_start3A_29 = tpu.memref_slice %arg10[%dma_start3A_27, %dma_start3A_28] : memref<10240x128xf32, #tpu.memory_space<vmem_shared>> -> memref<10240x128xf32, #tpu.memory_space<vmem_shared>>
        tpu.enqueue_indirect_dma source(%arg9 : memref<128x128xf32, #tpu.memory_space<vmem>>) target(%dma_start3A_29 : memref<10240x128xf32, #tpu.memory_space<vmem_shared>>) offsets(%dma_start3A_26 : memref<128xi32, #tpu.memory_space<vmem>>) semaphore(%run_scoped3A : memref<!tpu.dma_semaphore, #tpu.memory_space<semaphore_mem>>) {add = true}
        %dma_wait3A_30 = arith.constant 0 : i32
        %dma_wait3A_31 = tpu.memref_slice %arg8[%scan3A_13, %dma_wait3A_30] : memref<80x128xi32, #tpu.memory_space<vmem>> -> memref<1x128xi32, #tpu.memory_space<vmem>>
        %dma_wait3A_32 = tpu.memref_squeeze %dma_wait3A_31 : memref<1x128xi32, #tpu.memory_space<vmem>> -> memref<128xi32, #tpu.memory_space<vmem>>
        %dma_wait3A_33 = arith.constant 0 : i32
        %dma_wait3A_34 = arith.constant 0 : i32
        %dma_wait3A_35 = tpu.memref_slice %arg10[%dma_wait3A_33, %dma_wait3A_34] : memref<10240x128xf32, #tpu.memory_space<vmem_shared>> -> memref<10240x128xf32, #tpu.memory_space<vmem_shared>>
        tpu.wait_indirect_dma semaphore(%run_scoped3A : memref<!tpu.dma_semaphore, #tpu.memory_space<semaphore_mem>>) src(%arg9 : memref<128x128xf32, #tpu.memory_space<vmem>>) dst(%dma_wait3A_35 : memref<10240x128xf32, #tpu.memory_space<vmem_shared>>)
        tpu.yield
      }) : () -> ()
    }
    %scan3A_7 = arith.constant 80 : i32
    %barrier3A_8 = arith.constant 0 : index
    tpu.barrier barrier_id(%barrier3A_8)
    %mul3A_9 = arith.constant 640 : i32
    %mul3A_10 = arith.muli %arg1, %mul3A_9 : i32
    %mul3A_11 = arith.constant 640 : i32
    %mul3A_12 = arith.muli %arg1, %mul3A_11 : i32
    "tpu.region"() ({
      %run_scoped3A = tpu.sem_alloc : memref<!tpu.dma_semaphore, #tpu.memory_space<semaphore_mem>>
      %dma_start3A = arith.constant 0 : i32
      %dma_start3A_13 = tpu.memref_slice %arg6[%arg0, %mul3A_12, %dma_start3A] : memref<2x10240x128xf32, #tpu.memory_space<hbm>> -> memref<1x640x128xf32, #tpu.memory_space<hbm>>
      %dma_start3A_14 = tpu.memref_squeeze %dma_start3A_13 : memref<1x640x128xf32, #tpu.memory_space<hbm>> -> memref<640x128xf32, #tpu.memory_space<hbm>>
      %dma_start3A_15 = arith.constant 0 : i32
      %dma_start3A_16 = tpu.memref_slice %arg10[%mul3A_10, %dma_start3A_15] : memref<10240x128xf32, #tpu.memory_space<vmem_shared>> -> memref<640x128xf32, #tpu.memory_space<vmem_shared>>
      tpu.enqueue_dma source(%dma_start3A_16 : memref<640x128xf32, #tpu.memory_space<vmem_shared>>) target(%dma_start3A_14 : memref<640x128xf32, #tpu.memory_space<hbm>>) target_semaphore(%run_scoped3A : memref<!tpu.dma_semaphore, #tpu.memory_space<semaphore_mem>>)
      %dma_wait3A = arith.constant 0 : i32
      %dma_wait3A_17 = tpu.memref_slice %arg6[%arg0, %mul3A_12, %dma_wait3A] : memref<2x10240x128xf32, #tpu.memory_space<hbm>> -> memref<1x640x128xf32, #tpu.memory_space<hbm>>
      %dma_wait3A_18 = tpu.memref_squeeze %dma_wait3A_17 : memref<1x640x128xf32, #tpu.memory_space<hbm>> -> memref<640x128xf32, #tpu.memory_space<hbm>>
      %dma_wait3A_19 = arith.constant 0 : i32
      %dma_wait3A_20 = tpu.memref_slice %arg10[%mul3A_10, %dma_wait3A_19] : memref<10240x128xf32, #tpu.memory_space<vmem_shared>> -> memref<640x128xf32, #tpu.memory_space<vmem_shared>>
      tpu.wait_dma2 semaphore(%run_scoped3A : memref<!tpu.dma_semaphore, #tpu.memory_space<semaphore_mem>>) src(%dma_wait3A_20 : memref<640x128xf32, #tpu.memory_space<vmem_shared>>) dst(%dma_wait3A_18 : memref<640x128xf32, #tpu.memory_space<hbm>>)
      tpu.yield
    }) : () -> ()
    return
  }
}

#map = affine_map<(d0, d1) -> (0, 0)>
#map1 = affine_map<(d0, d1) -> (0, 0, 0)>
module attributes {stable_mosaic.version = 14 : i64} {
  func.func @conv_kernel(%arg0: i32, %arg1: i32, %arg2: memref<10240x64xf32, #tpu.memory_space<hbm>>, %arg3: memref<32x80x128xi32, #tpu.memory_space<hbm>>, %arg4: memref<32x80x128xi32, #tpu.memory_space<hbm>>, %arg5: memref<640x64xf32, #tpu.memory_space<hbm>>, %arg6: memref<2x10240x64xf32, #tpu.memory_space<hbm>>, %arg7: memref<80x128xi32, #tpu.memory_space<vmem>>, %arg8: memref<80x128xi32, #tpu.memory_space<vmem>>, %arg9: memref<128x64xf32, #tpu.memory_space<vmem>>, %arg10: memref<10240x64xf32, #tpu.memory_space<vmem_shared>>, %arg11: memref<!tpu.dma_semaphore, #tpu.memory_space<semaphore_mem>>) attributes {dimension_semantics = [#tpu.dimension_semantics<core_parallel>, #tpu.dimension_semantics<subcore_parallel>], iteration_bounds = array<i64: 2, 16>, scalar_prefetch = 0 : i64, scratch_operands = 5 : i64, tpu.core_type = #tpu.core_type<sc_vector_subcore>, window_params = [{transform_indices = #map}, {transform_indices = #map1}, {transform_indices = #map1}, {transform_indices = #map}, {transform_indices = #map1}]} {
    %mul3A = arith.constant 2 : i32
    %mul3A_0 = arith.muli %arg1, %mul3A : i32
    %add3A = arith.addi %mul3A_0, %arg0 : i32
    %mul3A_1 = arith.constant 640 : i32
    %mul3A_2 = arith.muli %arg1, %mul3A_1 : i32
    "tpu.region"() ({
      %run_scoped3A = tpu.sem_alloc : memref<!tpu.dma_semaphore, #tpu.memory_space<semaphore_mem>>
      %dma_start3A = arith.constant 0 : i32
      %dma_start3A_13 = tpu.memref_slice %arg10[%mul3A_2, %dma_start3A] : memref<10240x64xf32, #tpu.memory_space<vmem_shared>> -> memref<640x64xf32, #tpu.memory_space<vmem_shared>>
      tpu.enqueue_dma source(%arg5 : memref<640x64xf32, #tpu.memory_space<hbm>>) target(%dma_start3A_13 : memref<640x64xf32, #tpu.memory_space<vmem_shared>>) target_semaphore(%run_scoped3A : memref<!tpu.dma_semaphore, #tpu.memory_space<semaphore_mem>>)
      %dma_wait3A = arith.constant 0 : i32
      %dma_wait3A_14 = tpu.memref_slice %arg10[%mul3A_2, %dma_wait3A] : memref<10240x64xf32, #tpu.memory_space<vmem_shared>> -> memref<640x64xf32, #tpu.memory_space<vmem_shared>>
      tpu.wait_dma2 semaphore(%run_scoped3A : memref<!tpu.dma_semaphore, #tpu.memory_space<semaphore_mem>>) src(%arg5 : memref<640x64xf32, #tpu.memory_space<hbm>>) dst(%dma_wait3A_14 : memref<640x64xf32, #tpu.memory_space<vmem_shared>>)
      tpu.yield
    }) : () -> ()
    %barrier3A = arith.constant 0 : index
    tpu.barrier barrier_id(%barrier3A)
    "tpu.region"() ({
      %run_scoped3A = tpu.sem_alloc : memref<!tpu.dma_semaphore, #tpu.memory_space<semaphore_mem>>
      %dma_start3A = arith.constant 0 : i32
      %dma_start3A_13 = arith.constant 0 : i32
      %dma_start3A_14 = tpu.memref_slice %arg3[%add3A, %dma_start3A, %dma_start3A_13] : memref<32x80x128xi32, #tpu.memory_space<hbm>> -> memref<1x80x128xi32, #tpu.memory_space<hbm>>
      %dma_start3A_15 = tpu.memref_squeeze %dma_start3A_14 : memref<1x80x128xi32, #tpu.memory_space<hbm>> -> memref<80x128xi32, #tpu.memory_space<hbm>>
      %dma_start3A_16 = arith.constant 0 : i32
      %dma_start3A_17 = arith.constant 0 : i32
      %dma_start3A_18 = tpu.memref_slice %arg3[%add3A, %dma_start3A_16, %dma_start3A_17] : memref<32x80x128xi32, #tpu.memory_space<hbm>> -> memref<1x80x128xi32, #tpu.memory_space<hbm>>
      %dma_start3A_19 = tpu.memref_squeeze %dma_start3A_18 : memref<1x80x128xi32, #tpu.memory_space<hbm>> -> memref<80x128xi32, #tpu.memory_space<hbm>>
      tpu.enqueue_dma source(%dma_start3A_19 : memref<80x128xi32, #tpu.memory_space<hbm>>) target(%arg7 : memref<80x128xi32, #tpu.memory_space<vmem>>) target_semaphore(%run_scoped3A : memref<!tpu.dma_semaphore, #tpu.memory_space<semaphore_mem>>)
      %dma_wait3A = arith.constant 0 : i32
      %dma_wait3A_20 = arith.constant 0 : i32
      %dma_wait3A_21 = tpu.memref_slice %arg3[%add3A, %dma_wait3A, %dma_wait3A_20] : memref<32x80x128xi32, #tpu.memory_space<hbm>> -> memref<1x80x128xi32, #tpu.memory_space<hbm>>
      %dma_wait3A_22 = tpu.memref_squeeze %dma_wait3A_21 : memref<1x80x128xi32, #tpu.memory_space<hbm>> -> memref<80x128xi32, #tpu.memory_space<hbm>>
      %dma_wait3A_23 = arith.constant 0 : i32
      %dma_wait3A_24 = arith.constant 0 : i32
      %dma_wait3A_25 = tpu.memref_slice %arg3[%add3A, %dma_wait3A_23, %dma_wait3A_24] : memref<32x80x128xi32, #tpu.memory_space<hbm>> -> memref<1x80x128xi32, #tpu.memory_space<hbm>>
      %dma_wait3A_26 = tpu.memref_squeeze %dma_wait3A_25 : memref<1x80x128xi32, #tpu.memory_space<hbm>> -> memref<80x128xi32, #tpu.memory_space<hbm>>
      tpu.wait_dma2 semaphore(%run_scoped3A : memref<!tpu.dma_semaphore, #tpu.memory_space<semaphore_mem>>) src(%dma_wait3A_26 : memref<80x128xi32, #tpu.memory_space<hbm>>) dst(%arg7 : memref<80x128xi32, #tpu.memory_space<vmem>>)
      tpu.yield
    }) : () -> ()
    "tpu.region"() ({
      %run_scoped3A = tpu.sem_alloc : memref<!tpu.dma_semaphore, #tpu.memory_space<semaphore_mem>>
      %dma_start3A = arith.constant 0 : i32
      %dma_start3A_13 = arith.constant 0 : i32
      %dma_start3A_14 = tpu.memref_slice %arg4[%add3A, %dma_start3A, %dma_start3A_13] : memref<32x80x128xi32, #tpu.memory_space<hbm>> -> memref<1x80x128xi32, #tpu.memory_space<hbm>>
      %dma_start3A_15 = tpu.memref_squeeze %dma_start3A_14 : memref<1x80x128xi32, #tpu.memory_space<hbm>> -> memref<80x128xi32, #tpu.memory_space<hbm>>
      %dma_start3A_16 = arith.constant 0 : i32
      %dma_start3A_17 = arith.constant 0 : i32
      %dma_start3A_18 = tpu.memref_slice %arg4[%add3A, %dma_start3A_16, %dma_start3A_17] : memref<32x80x128xi32, #tpu.memory_space<hbm>> -> memref<1x80x128xi32, #tpu.memory_space<hbm>>
      %dma_start3A_19 = tpu.memref_squeeze %dma_start3A_18 : memref<1x80x128xi32, #tpu.memory_space<hbm>> -> memref<80x128xi32, #tpu.memory_space<hbm>>
      tpu.enqueue_dma source(%dma_start3A_19 : memref<80x128xi32, #tpu.memory_space<hbm>>) target(%arg8 : memref<80x128xi32, #tpu.memory_space<vmem>>) target_semaphore(%run_scoped3A : memref<!tpu.dma_semaphore, #tpu.memory_space<semaphore_mem>>)
      %dma_wait3A = arith.constant 0 : i32
      %dma_wait3A_20 = arith.constant 0 : i32
      %dma_wait3A_21 = tpu.memref_slice %arg4[%add3A, %dma_wait3A, %dma_wait3A_20] : memref<32x80x128xi32, #tpu.memory_space<hbm>> -> memref<1x80x128xi32, #tpu.memory_space<hbm>>
      %dma_wait3A_22 = tpu.memref_squeeze %dma_wait3A_21 : memref<1x80x128xi32, #tpu.memory_space<hbm>> -> memref<80x128xi32, #tpu.memory_space<hbm>>
      %dma_wait3A_23 = arith.constant 0 : i32
      %dma_wait3A_24 = arith.constant 0 : i32
      %dma_wait3A_25 = tpu.memref_slice %arg4[%add3A, %dma_wait3A_23, %dma_wait3A_24] : memref<32x80x128xi32, #tpu.memory_space<hbm>> -> memref<1x80x128xi32, #tpu.memory_space<hbm>>
      %dma_wait3A_26 = tpu.memref_squeeze %dma_wait3A_25 : memref<1x80x128xi32, #tpu.memory_space<hbm>> -> memref<80x128xi32, #tpu.memory_space<hbm>>
      tpu.wait_dma2 semaphore(%run_scoped3A : memref<!tpu.dma_semaphore, #tpu.memory_space<semaphore_mem>>) src(%dma_wait3A_26 : memref<80x128xi32, #tpu.memory_space<hbm>>) dst(%arg8 : memref<80x128xi32, #tpu.memory_space<vmem>>)
      tpu.yield
    }) : () -> ()
    %scan3A = arith.constant 0 : i32
    %scan3A_3 = arith.constant 0 : i32
    %scan3A_4 = arith.constant 80 : i32
    %scan3A_5 = arith.addi %scan3A_3, %scan3A_4 : i32
    %scan3A_6 = arith.constant 1 : i32
    scf.for %scan3A_13 = %scan3A_3 to %scan3A_5 step %scan3A_6  : i32 {
      %dma_start3A = arith.constant 0 : i32
      %dma_start3A_14 = tpu.memref_slice %arg7[%scan3A_13, %dma_start3A] : memref<80x128xi32, #tpu.memory_space<vmem>> -> memref<1x128xi32, #tpu.memory_space<vmem>>
      %dma_start3A_15 = tpu.memref_squeeze %dma_start3A_14 : memref<1x128xi32, #tpu.memory_space<vmem>> -> memref<128xi32, #tpu.memory_space<vmem>>
      %dma_start3A_16 = arith.constant 0 : i32
      %dma_start3A_17 = arith.constant 0 : i32
      %dma_start3A_18 = tpu.memref_slice %arg2[%dma_start3A_16, %dma_start3A_17] : memref<10240x64xf32, #tpu.memory_space<hbm>> -> memref<10240x64xf32, #tpu.memory_space<hbm>>
      tpu.enqueue_indirect_dma source(%dma_start3A_18 : memref<10240x64xf32, #tpu.memory_space<hbm>>) target(%arg9 : memref<128x64xf32, #tpu.memory_space<vmem>>) offsets(%dma_start3A_15 : memref<128xi32, #tpu.memory_space<vmem>>) semaphore(%arg11 : memref<!tpu.dma_semaphore, #tpu.memory_space<semaphore_mem>>)
      %dma_wait3A = arith.constant 0 : i32
      %dma_wait3A_19 = tpu.memref_slice %arg7[%scan3A_13, %dma_wait3A] : memref<80x128xi32, #tpu.memory_space<vmem>> -> memref<1x128xi32, #tpu.memory_space<vmem>>
      %dma_wait3A_20 = tpu.memref_squeeze %dma_wait3A_19 : memref<1x128xi32, #tpu.memory_space<vmem>> -> memref<128xi32, #tpu.memory_space<vmem>>
      %dma_wait3A_21 = arith.constant 0 : i32
      %dma_wait3A_22 = arith.constant 0 : i32
      %dma_wait3A_23 = tpu.memref_slice %arg2[%dma_wait3A_21, %dma_wait3A_22] : memref<10240x64xf32, #tpu.memory_space<hbm>> -> memref<10240x64xf32, #tpu.memory_space<hbm>>
      tpu.wait_indirect_dma semaphore(%arg11 : memref<!tpu.dma_semaphore, #tpu.memory_space<semaphore_mem>>) src(%dma_wait3A_23 : memref<10240x64xf32, #tpu.memory_space<hbm>>) dst(%arg9 : memref<128x64xf32, #tpu.memory_space<vmem>>)
      "tpu.region"() ({
        %run_scoped3A = tpu.sem_alloc : memref<!tpu.dma_semaphore, #tpu.memory_space<semaphore_mem>>
        %dma_start3A_24 = arith.constant 0 : i32
        %dma_start3A_25 = tpu.memref_slice %arg8[%scan3A_13, %dma_start3A_24] : memref<80x128xi32, #tpu.memory_space<vmem>> -> memref<1x128xi32, #tpu.memory_space<vmem>>
        %dma_start3A_26 = tpu.memref_squeeze %dma_start3A_25 : memref<1x128xi32, #tpu.memory_space<vmem>> -> memref<128xi32, #tpu.memory_space<vmem>>
        %dma_start3A_27 = arith.constant 0 : i32
        %dma_start3A_28 = arith.constant 0 : i32
        %dma_start3A_29 = tpu.memref_slice %arg10[%dma_start3A_27, %dma_start3A_28] : memref<10240x64xf32, #tpu.memory_space<vmem_shared>> -> memref<10240x64xf32, #tpu.memory_space<vmem_shared>>
        tpu.enqueue_indirect_dma source(%arg9 : memref<128x64xf32, #tpu.memory_space<vmem>>) target(%dma_start3A_29 : memref<10240x64xf32, #tpu.memory_space<vmem_shared>>) offsets(%dma_start3A_26 : memref<128xi32, #tpu.memory_space<vmem>>) semaphore(%run_scoped3A : memref<!tpu.dma_semaphore, #tpu.memory_space<semaphore_mem>>) {add = true}
        %dma_wait3A_30 = arith.constant 0 : i32
        %dma_wait3A_31 = tpu.memref_slice %arg8[%scan3A_13, %dma_wait3A_30] : memref<80x128xi32, #tpu.memory_space<vmem>> -> memref<1x128xi32, #tpu.memory_space<vmem>>
        %dma_wait3A_32 = tpu.memref_squeeze %dma_wait3A_31 : memref<1x128xi32, #tpu.memory_space<vmem>> -> memref<128xi32, #tpu.memory_space<vmem>>
        %dma_wait3A_33 = arith.constant 0 : i32
        %dma_wait3A_34 = arith.constant 0 : i32
        %dma_wait3A_35 = tpu.memref_slice %arg10[%dma_wait3A_33, %dma_wait3A_34] : memref<10240x64xf32, #tpu.memory_space<vmem_shared>> -> memref<10240x64xf32, #tpu.memory_space<vmem_shared>>
        tpu.wait_indirect_dma semaphore(%run_scoped3A : memref<!tpu.dma_semaphore, #tpu.memory_space<semaphore_mem>>) src(%arg9 : memref<128x64xf32, #tpu.memory_space<vmem>>) dst(%dma_wait3A_35 : memref<10240x64xf32, #tpu.memory_space<vmem_shared>>)
        tpu.yield
      }) : () -> ()
    }
    %scan3A_7 = arith.constant 80 : i32
    %barrier3A_8 = arith.constant 0 : index
    tpu.barrier barrier_id(%barrier3A_8)
    %mul3A_9 = arith.constant 640 : i32
    %mul3A_10 = arith.muli %arg1, %mul3A_9 : i32
    %mul3A_11 = arith.constant 640 : i32
    %mul3A_12 = arith.muli %arg1, %mul3A_11 : i32
    "tpu.region"() ({
      %run_scoped3A = tpu.sem_alloc : memref<!tpu.dma_semaphore, #tpu.memory_space<semaphore_mem>>
      %dma_start3A = arith.constant 0 : i32
      %dma_start3A_13 = tpu.memref_slice %arg6[%arg0, %mul3A_12, %dma_start3A] : memref<2x10240x64xf32, #tpu.memory_space<hbm>> -> memref<1x640x64xf32, #tpu.memory_space<hbm>>
      %dma_start3A_14 = tpu.memref_squeeze %dma_start3A_13 : memref<1x640x64xf32, #tpu.memory_space<hbm>> -> memref<640x64xf32, #tpu.memory_space<hbm>>
      %dma_start3A_15 = arith.constant 0 : i32
      %dma_start3A_16 = tpu.memref_slice %arg10[%mul3A_10, %dma_start3A_15] : memref<10240x64xf32, #tpu.memory_space<vmem_shared>> -> memref<640x64xf32, #tpu.memory_space<vmem_shared>>
      tpu.enqueue_dma source(%dma_start3A_16 : memref<640x64xf32, #tpu.memory_space<vmem_shared>>) target(%dma_start3A_14 : memref<640x64xf32, #tpu.memory_space<hbm>>) target_semaphore(%run_scoped3A : memref<!tpu.dma_semaphore, #tpu.memory_space<semaphore_mem>>)
      %dma_wait3A = arith.constant 0 : i32
      %dma_wait3A_17 = tpu.memref_slice %arg6[%arg0, %mul3A_12, %dma_wait3A] : memref<2x10240x64xf32, #tpu.memory_space<hbm>> -> memref<1x640x64xf32, #tpu.memory_space<hbm>>
      %dma_wait3A_18 = tpu.memref_squeeze %dma_wait3A_17 : memref<1x640x64xf32, #tpu.memory_space<hbm>> -> memref<640x64xf32, #tpu.memory_space<hbm>>
      %dma_wait3A_19 = arith.constant 0 : i32
      %dma_wait3A_20 = tpu.memref_slice %arg10[%mul3A_10, %dma_wait3A_19] : memref<10240x64xf32, #tpu.memory_space<vmem_shared>> -> memref<640x64xf32, #tpu.memory_space<vmem_shared>>
      tpu.wait_dma2 semaphore(%run_scoped3A : memref<!tpu.dma_semaphore, #tpu.memory_space<semaphore_mem>>) src(%dma_wait3A_20 : memref<640x64xf32, #tpu.memory_space<vmem_shared>>) dst(%dma_wait3A_18 : memref<640x64xf32, #tpu.memory_space<hbm>>)
      tpu.yield
    }) : () -> ()
    return
  }
}

module attributes {stable_mosaic.version = 14 : i64} {
  func.func @_stage0_body(%arg0: memref<2x10240x1xf32, #tpu.memory_space<vmem>>, %arg1: memref<10240x128xf32, #tpu.memory_space<vmem>>, %arg2: memref<128x128xf32, #tpu.memory_space<vmem>>, %arg3: memref<10240x1xf32, #tpu.memory_space<vmem>>, %arg4: memref<10240x128xf32, #tpu.memory_space<vmem>>) attributes {dimension_semantics = [], scalar_prefetch = 0 : i64, scratch_operands = 0 : i64, tpu.core_type = #tpu.core_type<tc>} {
    %get3A = arith.constant 0 : index
    %get3A_0 = arith.constant 0 : index
    %get3A_1 = arith.constant 0 : index
    %get3A_2 = vector.load %arg0[%get3A, %get3A_0, %get3A_1] : memref<2x10240x1xf32, #tpu.memory_space<vmem>>, vector<2x10240x1xf32>
    %reduce_sum3A = arith.constant dense<0.000000e+00> : vector<10240x1xf32>
    %reduce_sum3A_3 = vector.multi_reduction <add>, %get3A_2, %reduce_sum3A [0] : vector<2x10240x1xf32> to vector<10240x1xf32>
    %add3A = arith.constant 1.000000e+00 : f32
    %add3A_4 = vector.broadcast %add3A : f32 to vector<10240x1xf32>
    %add3A_5 = arith.addf %reduce_sum3A_3, %add3A_4 : vector<10240x1xf32>
    %iota3A = tpu.iota {dimensions = array<i32: 0>} : vector<10240x1xi32>
    %lt3A = arith.constant 10000 : i32
    %lt3A_6 = vector.broadcast %lt3A : i32 to vector<10240x1xi32>
    %lt3A_7 = arith.cmpi slt, %iota3A, %lt3A_6 : vector<10240x1xi32>
    %rsqrt3A = math.rsqrt %add3A_5 : vector<10240x1xf32>
    %jit3A = arith.constant 0.000000e+00 : f32
    %broadcast_in_dim3A = vector.broadcast %jit3A : f32 to vector<10240x1xf32>
    %select_n3A = arith.select %lt3A_7, %rsqrt3A, %broadcast_in_dim3A : vector<10240x1xi1>, vector<10240x1xf32>
    %swap3A = arith.constant 0 : index
    %swap3A_8 = arith.constant 0 : index
    %swap3A_9 = vector.load %arg3[%swap3A, %swap3A_8] : memref<10240x1xf32, #tpu.memory_space<vmem>>, vector<10240x1xf32>
    tpu.vector_store %arg3[%swap3A, %swap3A_8], %select_n3A {strides = array<i32>} : memref<10240x1xf32, #tpu.memory_space<vmem>>, vector<10240x1xf32>,
    %get3A_10 = arith.constant 0 : index
    %get3A_11 = arith.constant 0 : index
    %get3A_12 = vector.load %arg1[%get3A_10, %get3A_11] : memref<10240x128xf32, #tpu.memory_space<vmem>>, vector<10240x128xf32>
    %get3A_13 = arith.constant 0 : index
    %get3A_14 = arith.constant 0 : index
    %get3A_15 = vector.load %arg2[%get3A_13, %get3A_14] : memref<128x128xf32, #tpu.memory_space<vmem>>, vector<128x128xf32>
    %dot_general3A = arith.constant dense<0.000000e+00> : vector<10240x128xf32>
    %dot_general3A_16 = tpu.matmul %get3A_12, %get3A_15, %dot_general3A {dimension_numbers = #tpu.dot_dimension_numbers<[1], [0], [0], [1], [0, 0, 1, 1], [], []>, transpose_lhs_hint = false} : vector<10240x128xf32>, vector<128x128xf32>, vector<10240x128xf32> -> vector<10240x128xf32>
    %mul3A = vector.broadcast %select_n3A : vector<10240x1xf32> to vector<10240x128xf32>
    %mul3A_17 = arith.mulf %dot_general3A_16, %mul3A : vector<10240x128xf32>
    %swap3A_18 = arith.constant 0 : index
    %swap3A_19 = arith.constant 0 : index
    %swap3A_20 = vector.load %arg4[%swap3A_18, %swap3A_19] : memref<10240x128xf32, #tpu.memory_space<vmem>>, vector<10240x128xf32>
    tpu.vector_store %arg4[%swap3A_18, %swap3A_19], %mul3A_17 {strides = array<i32>} : memref<10240x128xf32, #tpu.memory_space<vmem>>, vector<10240x128xf32>,
    return
  }
}

module attributes {stable_mosaic.version = 14 : i64} {
  func.func @_stage3_body(%arg0: memref<2x10240x128xf32, #tpu.memory_space<vmem>>, %arg1: memref<10240x128xf32, #tpu.memory_space<vmem>>, %arg2: memref<10240x1xf32, #tpu.memory_space<vmem>>, %arg3: memref<1x128xf32, #tpu.memory_space<vmem>>, %arg4: memref<128x64xf32, #tpu.memory_space<vmem>>, %arg5: memref<10240x64xf32, #tpu.memory_space<vmem>>) attributes {dimension_semantics = [], scalar_prefetch = 0 : i64, scratch_operands = 0 : i64, tpu.core_type = #tpu.core_type<tc>} {
    %get3A = arith.constant 0 : index
    %get3A_0 = arith.constant 0 : index
    %get3A_1 = vector.load %arg2[%get3A, %get3A_0] : memref<10240x1xf32, #tpu.memory_space<vmem>>, vector<10240x1xf32>
    %iota3A = tpu.iota {dimensions = array<i32: 0>} : vector<10240x1xi32>
    %lt3A = arith.constant 10000 : i32
    %lt3A_2 = vector.broadcast %lt3A : i32 to vector<10240x1xi32>
    %lt3A_3 = arith.cmpi slt, %iota3A, %lt3A_2 : vector<10240x1xi32>
    %convert_element_type3A = arith.extui %lt3A_3 : vector<10240x1xi1> to vector<10240x1xi32>
    %convert_element_type3A_4 = arith.sitofp %convert_element_type3A : vector<10240x1xi32> to vector<10240x1xf32>
    %get3A_5 = arith.constant 0 : index
    %get3A_6 = arith.constant 0 : index
    %get3A_7 = arith.constant 0 : index
    %get3A_8 = vector.load %arg0[%get3A_5, %get3A_6, %get3A_7] : memref<2x10240x128xf32, #tpu.memory_space<vmem>>, vector<1x10240x128xf32>
    %get3A_9 = vector.shape_cast %get3A_8 : vector<1x10240x128xf32> to vector<10240x128xf32>
    %get3A_10 = arith.constant 1 : index
    %get3A_11 = arith.constant 0 : index
    %get3A_12 = arith.constant 0 : index
    %get3A_13 = vector.load %arg0[%get3A_10, %get3A_11, %get3A_12] : memref<2x10240x128xf32, #tpu.memory_space<vmem>>, vector<1x10240x128xf32>
    %get3A_14 = vector.shape_cast %get3A_13 : vector<1x10240x128xf32> to vector<10240x128xf32>
    %add3A = arith.addf %get3A_9, %get3A_14 : vector<10240x128xf32>
    %get3A_15 = arith.constant 0 : index
    %get3A_16 = arith.constant 0 : index
    %get3A_17 = vector.load %arg1[%get3A_15, %get3A_16] : memref<10240x128xf32, #tpu.memory_space<vmem>>, vector<10240x128xf32>
    %add3A_18 = arith.addf %add3A, %get3A_17 : vector<10240x128xf32>
    %mul3A = vector.broadcast %get3A_1 : vector<10240x1xf32> to vector<10240x128xf32>
    %mul3A_19 = arith.mulf %add3A_18, %mul3A : vector<10240x128xf32>
    %get3A_20 = arith.constant 0 : index
    %get3A_21 = arith.constant 0 : index
    %get3A_22 = vector.load %arg3[%get3A_20, %get3A_21] : memref<1x128xf32, #tpu.memory_space<vmem>>, vector<1x128xf32>
    %add3A_23 = vector.broadcast %get3A_22 : vector<1x128xf32> to vector<10240x128xf32>
    %add3A_24 = arith.addf %mul3A_19, %add3A_23 : vector<10240x128xf32>
    %mul3A_25 = vector.broadcast %convert_element_type3A_4 : vector<10240x1xf32> to vector<10240x128xf32>
    %mul3A_26 = arith.mulf %add3A_24, %mul3A_25 : vector<10240x128xf32>
    %get3A_27 = arith.constant 0 : index
    %get3A_28 = arith.constant 0 : index
    %get3A_29 = vector.load %arg4[%get3A_27, %get3A_28] : memref<128x64xf32, #tpu.memory_space<vmem>>, vector<128x64xf32>
    %dot_general3A = arith.constant dense<0.000000e+00> : vector<10240x64xf32>
    %dot_general3A_30 = tpu.matmul %mul3A_26, %get3A_29, %dot_general3A {dimension_numbers = #tpu.dot_dimension_numbers<[1], [0], [0], [1], [0, 0, 1, 1], [], []>, transpose_lhs_hint = false} : vector<10240x128xf32>, vector<128x64xf32>, vector<10240x64xf32> -> vector<10240x64xf32>
    %mul3A_31 = vector.broadcast %get3A_1 : vector<10240x1xf32> to vector<10240x64xf32>
    %mul3A_32 = arith.mulf %dot_general3A_30, %mul3A_31 : vector<10240x64xf32>
    %swap3A = arith.constant 0 : index
    %swap3A_33 = arith.constant 0 : index
    %swap3A_34 = vector.load %arg5[%swap3A, %swap3A_33] : memref<10240x64xf32, #tpu.memory_space<vmem>>, vector<10240x64xf32>
    tpu.vector_store %arg5[%swap3A, %swap3A_33], %mul3A_32 {strides = array<i32>} : memref<10240x64xf32, #tpu.memory_space<vmem>>, vector<10240x64xf32>,
    return
  }
}

module attributes {stable_mosaic.version = 14 : i64} {
  func.func @_stage_mid_body(%arg0: memref<2x10240x128xf32, #tpu.memory_space<vmem>>, %arg1: memref<10240x128xf32, #tpu.memory_space<vmem>>, %arg2: memref<10240x1xf32, #tpu.memory_space<vmem>>, %arg3: memref<1x128xf32, #tpu.memory_space<vmem>>, %arg4: memref<1x128xf32, #tpu.memory_space<vmem>>, %arg5: memref<1x128xf32, #tpu.memory_space<vmem>>, %arg6: memref<128x128xf32, #tpu.memory_space<vmem>>, %arg7: memref<10240x128xf32, #tpu.memory_space<vmem>>) attributes {dimension_semantics = [], scalar_prefetch = 0 : i64, scratch_operands = 0 : i64, tpu.core_type = #tpu.core_type<tc>} {
    %get3A = arith.constant 0 : index
    %get3A_0 = arith.constant 0 : index
    %get3A_1 = vector.load %arg2[%get3A, %get3A_0] : memref<10240x1xf32, #tpu.memory_space<vmem>>, vector<10240x1xf32>
    %iota3A = tpu.iota {dimensions = array<i32: 0>} : vector<10240x1xi32>
    %lt3A = arith.constant 10000 : i32
    %lt3A_2 = vector.broadcast %lt3A : i32 to vector<10240x1xi32>
    %lt3A_3 = arith.cmpi slt, %iota3A, %lt3A_2 : vector<10240x1xi32>
    %convert_element_type3A = arith.extui %lt3A_3 : vector<10240x1xi1> to vector<10240x1xi32>
    %convert_element_type3A_4 = arith.sitofp %convert_element_type3A : vector<10240x1xi32> to vector<10240x1xf32>
    %get3A_5 = arith.constant 0 : index
    %get3A_6 = arith.constant 0 : index
    %get3A_7 = arith.constant 0 : index
    %get3A_8 = vector.load %arg0[%get3A_5, %get3A_6, %get3A_7] : memref<2x10240x128xf32, #tpu.memory_space<vmem>>, vector<1x10240x128xf32>
    %get3A_9 = vector.shape_cast %get3A_8 : vector<1x10240x128xf32> to vector<10240x128xf32>
    %get3A_10 = arith.constant 1 : index
    %get3A_11 = arith.constant 0 : index
    %get3A_12 = arith.constant 0 : index
    %get3A_13 = vector.load %arg0[%get3A_10, %get3A_11, %get3A_12] : memref<2x10240x128xf32, #tpu.memory_space<vmem>>, vector<1x10240x128xf32>
    %get3A_14 = vector.shape_cast %get3A_13 : vector<1x10240x128xf32> to vector<10240x128xf32>
    %add3A = arith.addf %get3A_9, %get3A_14 : vector<10240x128xf32>
    %get3A_15 = arith.constant 0 : index
    %get3A_16 = arith.constant 0 : index
    %get3A_17 = vector.load %arg1[%get3A_15, %get3A_16] : memref<10240x128xf32, #tpu.memory_space<vmem>>, vector<10240x128xf32>
    %add3A_18 = arith.addf %add3A, %get3A_17 : vector<10240x128xf32>
    %mul3A = vector.broadcast %get3A_1 : vector<10240x1xf32> to vector<10240x128xf32>
    %mul3A_19 = arith.mulf %add3A_18, %mul3A : vector<10240x128xf32>
    %get3A_20 = arith.constant 0 : index
    %get3A_21 = arith.constant 0 : index
    %get3A_22 = vector.load %arg3[%get3A_20, %get3A_21] : memref<1x128xf32, #tpu.memory_space<vmem>>, vector<1x128xf32>
    %add3A_23 = vector.broadcast %get3A_22 : vector<1x128xf32> to vector<10240x128xf32>
    %add3A_24 = arith.addf %mul3A_19, %add3A_23 : vector<10240x128xf32>
    %mul3A_25 = vector.broadcast %convert_element_type3A_4 : vector<10240x1xf32> to vector<10240x128xf32>
    %mul3A_26 = arith.mulf %add3A_24, %mul3A_25 : vector<10240x128xf32>
    %reduce_sum3A = arith.constant dense<0.000000e+00> : vector<128xf32>
    %reduce_sum3A_27 = vector.multi_reduction <add>, %mul3A_26, %reduce_sum3A [0] : vector<10240x128xf32> to vector<128xf32>
    %broadcast_in_dim3A = vector.shape_cast %reduce_sum3A_27 : vector<128xf32> to vector<1x128xf32>
    %mul3A_28 = arith.constant 9.99999974E-5 : f32
    %mul3A_29 = vector.broadcast %mul3A_28 : f32 to vector<1x128xf32>
    %mul3A_30 = arith.mulf %broadcast_in_dim3A, %mul3A_29 : vector<1x128xf32>
    %sub3A = vector.broadcast %mul3A_30 : vector<1x128xf32> to vector<10240x128xf32>
    %sub3A_31 = arith.subf %mul3A_26, %sub3A : vector<10240x128xf32>
    %mul3A_32 = vector.broadcast %convert_element_type3A_4 : vector<10240x1xf32> to vector<10240x128xf32>
    %mul3A_33 = arith.mulf %sub3A_31, %mul3A_32 : vector<10240x128xf32>
    %mul3A_34 = arith.mulf %mul3A_33, %mul3A_33 : vector<10240x128xf32>
    %reduce_sum3A_35 = arith.constant dense<0.000000e+00> : vector<128xf32>
    %reduce_sum3A_36 = vector.multi_reduction <add>, %mul3A_34, %reduce_sum3A_35 [0] : vector<10240x128xf32> to vector<128xf32>
    %broadcast_in_dim3A_37 = vector.shape_cast %reduce_sum3A_36 : vector<128xf32> to vector<1x128xf32>
    %mul3A_38 = arith.constant 9.99999974E-5 : f32
    %mul3A_39 = vector.broadcast %mul3A_38 : f32 to vector<1x128xf32>
    %mul3A_40 = arith.mulf %broadcast_in_dim3A_37, %mul3A_39 : vector<1x128xf32>
    %add3A_41 = arith.constant 9.99999974E-6 : f32
    %add3A_42 = vector.broadcast %add3A_41 : f32 to vector<1x128xf32>
    %add3A_43 = arith.addf %mul3A_40, %add3A_42 : vector<1x128xf32>
    %rsqrt3A = math.rsqrt %add3A_43 : vector<1x128xf32>
    %mul3A_44 = vector.broadcast %rsqrt3A : vector<1x128xf32> to vector<10240x128xf32>
    %mul3A_45 = arith.mulf %mul3A_33, %mul3A_44 : vector<10240x128xf32>
    %get3A_46 = arith.constant 0 : index
    %get3A_47 = arith.constant 0 : index
    %get3A_48 = vector.load %arg4[%get3A_46, %get3A_47] : memref<1x128xf32, #tpu.memory_space<vmem>>, vector<1x128xf32>
    %mul3A_49 = vector.broadcast %get3A_48 : vector<1x128xf32> to vector<10240x128xf32>
    %mul3A_50 = arith.mulf %mul3A_45, %mul3A_49 : vector<10240x128xf32>
    %get3A_51 = arith.constant 0 : index
    %get3A_52 = arith.constant 0 : index
    %get3A_53 = vector.load %arg5[%get3A_51, %get3A_52] : memref<1x128xf32, #tpu.memory_space<vmem>>, vector<1x128xf32>
    %add3A_54 = vector.broadcast %get3A_53 : vector<1x128xf32> to vector<10240x128xf32>
    %add3A_55 = arith.addf %mul3A_50, %add3A_54 : vector<10240x128xf32>
    %max3A = arith.constant 0.000000e+00 : f32
    %max3A_56 = vector.broadcast %max3A : f32 to vector<10240x128xf32>
    %max3A_57 = arith.maximumf %add3A_55, %max3A_56 : vector<10240x128xf32>
    %get3A_58 = arith.constant 0 : index
    %get3A_59 = arith.constant 0 : index
    %get3A_60 = vector.load %arg6[%get3A_58, %get3A_59] : memref<128x128xf32, #tpu.memory_space<vmem>>, vector<128x128xf32>
    %dot_general3A = arith.constant dense<0.000000e+00> : vector<10240x128xf32>
    %dot_general3A_61 = tpu.matmul %max3A_57, %get3A_60, %dot_general3A {dimension_numbers = #tpu.dot_dimension_numbers<[1], [0], [0], [1], [0, 0, 1, 1], [], []>, transpose_lhs_hint = false} : vector<10240x128xf32>, vector<128x128xf32>, vector<10240x128xf32> -> vector<10240x128xf32>
    %mul3A_62 = vector.broadcast %get3A_1 : vector<10240x1xf32> to vector<10240x128xf32>
    %mul3A_63 = arith.mulf %dot_general3A_61, %mul3A_62 : vector<10240x128xf32>
    %swap3A = arith.constant 0 : index
    %swap3A_64 = arith.constant 0 : index
    %swap3A_65 = vector.load %arg7[%swap3A, %swap3A_64] : memref<10240x128xf32, #tpu.memory_space<vmem>>, vector<10240x128xf32>
    tpu.vector_store %arg7[%swap3A, %swap3A_64], %mul3A_63 {strides = array<i32>} : memref<10240x128xf32, #tpu.memory_space<vmem>>, vector<10240x128xf32>,
    return
  }
}

module attributes {stable_mosaic.version = 14 : i64} {
  func.func @_stage4_body(%arg0: memref<2x10240x64xf32, #tpu.memory_space<vmem>>, %arg1: memref<10240x64xf32, #tpu.memory_space<vmem>>, %arg2: memref<10240x1xf32, #tpu.memory_space<vmem>>, %arg3: memref<1x64xf32, #tpu.memory_space<vmem>>, %arg4: memref<10000x64xf32, #tpu.memory_space<vmem>>) attributes {dimension_semantics = [], scalar_prefetch = 0 : i64, scratch_operands = 0 : i64, tpu.core_type = #tpu.core_type<tc>} {
    %get3A = arith.constant 0 : index
    %get3A_0 = arith.constant 0 : index
    %get3A_1 = vector.load %arg2[%get3A, %get3A_0] : memref<10240x1xf32, #tpu.memory_space<vmem>>, vector<10240x1xf32>
    %get3A_2 = arith.constant 0 : index
    %get3A_3 = arith.constant 0 : index
    %get3A_4 = arith.constant 0 : index
    %get3A_5 = vector.load %arg0[%get3A_2, %get3A_3, %get3A_4] : memref<2x10240x64xf32, #tpu.memory_space<vmem>>, vector<1x10240x64xf32>
    %get3A_6 = vector.shape_cast %get3A_5 : vector<1x10240x64xf32> to vector<10240x64xf32>
    %get3A_7 = arith.constant 1 : index
    %get3A_8 = arith.constant 0 : index
    %get3A_9 = arith.constant 0 : index
    %get3A_10 = vector.load %arg0[%get3A_7, %get3A_8, %get3A_9] : memref<2x10240x64xf32, #tpu.memory_space<vmem>>, vector<1x10240x64xf32>
    %get3A_11 = vector.shape_cast %get3A_10 : vector<1x10240x64xf32> to vector<10240x64xf32>
    %add3A = arith.addf %get3A_6, %get3A_11 : vector<10240x64xf32>
    %get3A_12 = arith.constant 0 : index
    %get3A_13 = arith.constant 0 : index
    %get3A_14 = vector.load %arg1[%get3A_12, %get3A_13] : memref<10240x64xf32, #tpu.memory_space<vmem>>, vector<10240x64xf32>
    %add3A_15 = arith.addf %add3A, %get3A_14 : vector<10240x64xf32>
    %mul3A = vector.broadcast %get3A_1 : vector<10240x1xf32> to vector<10240x64xf32>
    %mul3A_16 = arith.mulf %add3A_15, %mul3A : vector<10240x64xf32>
    %get3A_17 = arith.constant 0 : index
    %get3A_18 = arith.constant 0 : index
    %get3A_19 = vector.load %arg3[%get3A_17, %get3A_18] : memref<1x64xf32, #tpu.memory_space<vmem>>, vector<1x64xf32>
    %add3A_20 = vector.broadcast %get3A_19 : vector<1x64xf32> to vector<10240x64xf32>
    %add3A_21 = arith.addf %mul3A_16, %add3A_20 : vector<10240x64xf32>
    %slice3A = vector.extract_strided_slice %add3A_21 {offsets = [0, 0], sizes = [10000, 64], strides = [1, 1]} : vector<10240x64xf32> to vector<10000x64xf32>
    %reduce_max3A = arith.constant dense<0xFF800000> : vector<10000xf32>
    %reduce_max3A_22 = vector.multi_reduction <maximumf>, %slice3A, %reduce_max3A [1] : vector<10000x64xf32> to vector<10000xf32>
    %broadcast_in_dim3A = vector.shape_cast %reduce_max3A_22 : vector<10000xf32> to vector<10000x1xf32>
    %sub3A = vector.broadcast %broadcast_in_dim3A : vector<10000x1xf32> to vector<10000x64xf32>
    %sub3A_23 = arith.subf %slice3A, %sub3A : vector<10000x64xf32>
    %exp3A = math.exp %sub3A_23 : vector<10000x64xf32>
    %reduce_sum3A = arith.constant dense<0.000000e+00> : vector<10000xf32>
    %reduce_sum3A_24 = vector.multi_reduction <add>, %exp3A, %reduce_sum3A [1] : vector<10000x64xf32> to vector<10000xf32>
    %broadcast_in_dim3A_25 = vector.shape_cast %reduce_sum3A_24 : vector<10000xf32> to vector<10000x1xf32>
    %log3A = math.log %broadcast_in_dim3A_25 : vector<10000x1xf32>
    %add3A_26 = arith.addf %log3A, %broadcast_in_dim3A : vector<10000x1xf32>
    %sub3A_27 = vector.broadcast %add3A_26 : vector<10000x1xf32> to vector<10000x64xf32>
    %sub3A_28 = arith.subf %slice3A, %sub3A_27 : vector<10000x64xf32>
    %swap3A = arith.constant 0 : index
    %swap3A_29 = arith.constant 0 : index
    %swap3A_30 = vector.load %arg4[%swap3A, %swap3A_29] : memref<10000x64xf32, #tpu.memory_space<vmem>>, vector<10000x64xf32>
    tpu.vector_store %arg4[%swap3A, %swap3A_29], %sub3A_28 {strides = array<i32>} : memref<10000x64xf32, #tpu.memory_space<vmem>>, vector<10000x64xf32>,
    return
  }
}

</mosaic_0001>

<sc_bundles>
// kernel: kernel.12.cloned.1.call-start
scs
__scs_entry_jumppad:
0x0: {  	(pc) =	sbr.rel $0x88, $3  }
0x1: {  	(tag) =	ssettag $0x0;
	lr =	simm.s32 $0x1  }
0x2: {  	[smem:$0x3F93] =	sst lr;
	_ =	strace $0xD0000000  }
0x3: {  	_ = 	snop  }
0x4: {  	_ = 	snop  }
0x5: {  	_ = 	snop  }
0x6: {  	_ = 	snop  }
0x7: {  	_ = 	snop  }
__scs_overlays_trampoline_lowered:
0x8: {  	[smem:$0x3FA2] =	sst s0  }
0x9: {  	[smem:$0x3FA3] =	sst s1  }
0xa: {  	[smem:$0x3FA4] =	sst s2  }
0xb: {  	[smem:$0x3FA5] =	sst s3  }
0xc: {  	[smem:$0x3FA6] =	sst s4  }
0xd: {  	[smem:$0x3FA7] =	sst s5  }
0xe: {  	[smem:$0x3FA8] =	sst s6  }
0xf: {  	[smem:$0x3FA9] =	sst s7  }
0x10: {  	[smem:$0x3FAA] =	sst s8  }
0x11: {  	[smem:$0x3FAB] =	sst s9;
	s0 =	simm.s32 @!p0 $0x0  }
0x12: {  	s1 =	sld [smem:$0x3F91];
	s0 =	simm.s32 @p0 $0x1  }
0x13: {  	[smem:$0x3FAC] =	sst s0;
	s0 =	simm.s32 @!p1 $0x0  }
0x14: {  	s2 =	sld [smem:$0x3F90];
	s0 =	simm.s32 @p1 $0x1  }
0x15: {  	[smem:$0x3FAD] =	sst s0;
	s0 =	simm.s32 @!p2 $0x0  }
0x16: {  	s3 =	sld [smem:$0x3FDB];
	s0 =	simm.s32 @p2 $0x1  }
0x17: {  	s4 =	simm.s32 $0x1BF5;
	[smem:$0x3FAF] =	sst s0  }
0x18: {  	s0 =	sld [smem:$0x3F92];
	_ =	swait.ge [sflag:s4], $0x0  }
0x19: {  	s7 =	sld [smem:$0x3F93]  }
0x1a: {  	s8 =	sadd.s32 $0xFFFFE003, lr  }
0x1b: {  	s9 =	sadd.s32 $0xFFFFFEF7, lr;
	s5 =	simm.s32 $0xFFFFFFFF;
	p2 =	slt.u32 s8, $0xFFFFF086  }
0x1c: {  	p1 =	slt.u32 s9, $0xF7A;
	s5 =	simm.s32 @!p2 $0x0  }
0x1d: {  	s5 =	simm.s32 @p1 $0x1;
	p0 =	seq.s32 s7, s2  }
0x1e: {  	s7 =	smul.u32 @!p0 $0xF7A, s2;
	p2 =	seq.s32 @!p0 s5, $0x0  }
0x1f: {  	s9 =	smul.u32 $0xF7A, s1;
	s8 =	simm.s32 @!p0 $0x1BF5;
	p2 =	por !p2, p0  }
0x20: {  	[sflag:s8] =	ssyncset.s32 @!p0 $0xFFFFF086;
	s6 =	sadd.s32 @!p0 s3, s7;
	s7 =	simm.s32 @!p0 $0x108  }
0x21: {  	s3 =	sadd.s32 s3, s9;
	s6 =	sadd.s32 @!p0 $0x88, s6;
	s7 =	simm.s32 @p2 $0x1082  }
0x22: {  	[simem:s7], [sflag:s8] =	dma.local @!p0 [hbm:s6], $0xF7A  }
0x23: {  	s9 =	sor.u32 $0xD0000000, s2;
	s6 =	simm.s32 $0x108;
	_ =	swait.ge @!p0 [sflag:s8], $0x0  }
0x24: {  	s3 =	sadd.s32 $0x88, s3;
	s6 =	simm.s32 @!p1 $0x1082;
	[sflag:s4] =	ssyncset.s32 $0xFFFFF086  }
0x25: {  	[simem:s6], [sflag:s4] =	dma.local [hbm:s3], $0xF7A  }
0x26: {  	[smem:$0x3F93] =	sst s1;
	(tag) =	ssettag s2;
	_ =	strace s9  }
0x27: {  	s1 =	sld [smem:$0x3FA3]  }
0x28: {  	s2 =	sld [smem:$0x3FA4]  }
0x29: {  	s4 =	sld [smem:$0x3FA6]  }
0x2a: {  	p0 =	seq.s32 s5, $0x0;
	s5 =	sld [smem:$0x3FA7]  }
0x2b: {  	s6 =	sld [smem:$0x3FA8]  }
0x2c: {  	s7 =	sld [smem:$0x3FA9]  }
0x2d: {  	s3 =	simm.s32 $0x108;
	s8 =	sld [smem:$0x3FAA]  }
0x2e: {  	s3 =	simm.s32 @!p0 $0x1082;
	s9 =	sld [smem:$0x3FAB]  }
0x2f: {  	lr =	sadd.s32 s0, s3;
	s0 =	sld [smem:$0x3FA2]  }
0x30: {  	s3 =	sld [smem:$0x3FA5]  }
0x31: {  	[smem:$0x3FAE] =	sst s10  }
0x32: {  	s10 =	sld [smem:$0x3FAC];
	_ =	sdelay $0x3  }
0x33: {  	p0 =	seq.s32 s10, $0x1;
	s10 =	sld [smem:$0x3FAE];
	_ =	sdelay $0x3  }
0x34: {  	[smem:$0x3FAE] =	sst s10  }
0x35: {  	s10 =	sld [smem:$0x3FAD];
	_ =	sdelay $0x3  }
0x36: {  	p1 =	seq.s32 s10, $0x1;
	s10 =	sld [smem:$0x3FAE];
	_ =	sdelay $0x3  }
0x37: {  	[smem:$0x3FAE] =	sst s10  }
0x38: {  	s10 =	sld [smem:$0x3FAF]  }
0x39: {  	_ = 	snop;
	(pc) =	sbr.ind lr, $3  }
0x3a: {  	_ = 	snop  }
0x3b: {  	_ = 	snop  }
0x3c: {  	p2 =	seq.s32 s10, $0x1;
	s10 =	sld [smem:$0x3FAE]  }
0x3d: {  	_ =	shalt  }
0x3e: {  	_ =	shalt  }
0x3f: {  	_ =	shalt  }
0x40: {  	_ =	shalt  }
0x41: {  	_ =	shalt  }
0x42: {  	_ =	shalt  }
0x43: {  	_ =	shalt  }
0x44: {  	_ =	shalt  }
0x45: {  	_ =	shalt  }
0x46: {  	_ =	shalt  }
0x47: {  	_ =	shalt  }
0x48: {  	_ =	shalt  }
0x49: {  	_ =	shalt  }
0x4a: {  	_ =	shalt  }
0x4b: {  	_ =	shalt  }
0x4c: {  	_ =	shalt  }
0x4d: {  	_ =	shalt  }
0x4e: {  	_ =	shalt  }
0x4f: {  	_ =	shalt  }
0x50: {  	_ =	shalt  }
0x51: {  	_ =	shalt  }
0x52: {  	_ =	shalt  }
0x53: {  	_ =	shalt  }
0x54: {  	_ =	shalt  }
0x55: {  	_ =	shalt  }
0x56: {  	_ =	shalt  }
0x57: {  	_ =	shalt  }
0x58: {  	_ =	shalt  }
0x59: {  	_ =	shalt  }
0x5a: {  	_ =	shalt  }
0x5b: {  	_ =	shalt  }
0x5c: {  	_ =	shalt  }
0x5d: {  	_ =	shalt  }
0x5e: {  	_ =	shalt  }
0x5f: {  	_ =	shalt  }
0x60: {  	_ =	shalt  }
0x61: {  	_ =	shalt  }
0x62: {  	_ =	shalt  }
0x63: {  	_ =	shalt  }
0x64: {  	_ =	shalt  }
0x65: {  	_ =	shalt  }
0x66: {  	_ =	shalt  }
0x67: {  	_ =	shalt  }
0x68: {  	_ =	shalt  }
0x69: {  	_ =	shalt  }
0x6a: {  	_ =	shalt  }
0x6b: {  	_ =	shalt  }
0x6c: {  	_ =	shalt  }
0x6d: {  	_ =	shalt  }
0x6e: {  	_ =	shalt  }
0x6f: {  	_ =	shalt  }
0x70: {  	_ =	shalt  }
0x71: {  	_ =	shalt  }
0x72: {  	_ =	shalt  }
0x73: {  	_ =	shalt  }
0x74: {  	_ =	shalt  }
0x75: {  	_ =	shalt  }
0x76: {  	_ =	shalt  }
0x77: {  	_ =	shalt  }
0x78: {  	_ =	shalt  }
0x79: {  	_ =	shalt  }
0x7a: {  	_ =	shalt  }
0x7b: {  	_ =	shalt  }
0x7c: {  	_ =	shalt  }
0x7d: {  	_ =	shalt  }
0x7e: {  	_ =	shalt  }
0x7f: {  	_ =	shalt  }
0x80: {  	_ =	shalt  }
0x81: {  	_ =	shalt  }
0x82: {  	_ =	shalt  }
0x83: {  	_ =	shalt  }
0x84: {  	_ =	shalt  }
0x85: {  	_ =	shalt  }
0x86: {  	_ =	shalt  }
0x87: {  	_ =	shalt  }
.Lfunc_end0:
.L_simem_size_0:
called_computation_lowered:
.L_overlay_start_0:
0x88: {  	s2 =	sld [smem:$0x3FD9]  }
0x89: {  	s3 =	sld [smem:$0x3FFE];
	_ =	sdelay $0x1  }
0x8a: {  	s1 =	srdreg.scid  }
0x8b: {  	s0 =	sand.u32 $0x1, s1  }
0x8c: {  	s17 =	sshll.u32 s0, $0xA;
	s2 =	sadd.s32 s3, s2  }
0x8d: {  	s2 =	sadd.s32 s2, s17  }
0x8e: {  	[smem:$0x3FBA] =	sst s2  }
0x8f: {  	_ = 	snop  }
0x90: {  	s2 =	sld [smem:$0x3FD0];
	(tm) =	ssettm $0x1  }
0x91: {  	s18 =	sld [smem:$0x3FFB];
	_ =	sdelay $0x3  }
0x92: {  	_ =	strace s18  }
0x93: {  	s3 =	sld [smem:$0x3FFC];
	_ =	sdelay $0x3  }
0x94: {  	_ =	strace s3  }
0x95: {  	s3 =	sld [smem:$0x3FFD];
	_ =	sdelay $0x3  }
0x96: {  	_ =	strace s3  }
0x97: {  	_ =	strace $0x8FFFFFFF  }
0x98: {  	s19 =	sld [smem:$0x3FDB];
	_ =	sdelay $0x1  }
0x99: {  	s4 =	simm.s32 $_scs_section_size  }
0x9a: {  	s5 =	simm.s32 $_size__tile_overlayer_lowered;
	s6 =	simm.s32 $_tile_overlayer_lowered  }
0x9b: {  	s22 =	simm.s32 $0x1BFF;
	s21 =	sshll.u32 s6, $0x1;
	s3 =	sadd.s32 s4, s19  }
0x9c: {  	s7 =	simm.s32 $0x0;
	s20 =	sshll.u32 s5, $0x1;
	s5 =	sadd.s32 s21, s3  }
0x9d: {  	[timem:s7], [sflag:s22] =	dma.local [hbm:s5], s20  }
0x9e: {  	_ =	swait.ge [sflag:s22], s20  }
0x9f: {  	s4 =	ssub.s32 $0x0, s20;
	[sflag:s22] =	ssyncset.done $0x0  }
0xa0: {  	[sflag:s22] =	ssyncadd.s32 s4;
	_ =	sdelay $0x1  }
0xa1: {  	s23 =	simm.s32 $0x1B8B  }
0xa2: {  	_ =	swait.ge [sflag:s23], $0x1  }
0xa3: {  	[sflag:s23] =	ssyncset.done $0x0  }
0xa4: {  	s25 =	simm.s32 $0x1B8E;
	s24 =	sld [smem:$0x3FFE];
	[sflag:s23] =	ssyncadd.s32 $0xFFFFFFFF  }
0xa5: {  	s26 =	simm.s32 $execute0_lowered;
	[smem:$0x3FD2] =	sst s25  }
0xa6: {  	s5 =	sshll.u32 s26, $0x1;
	_ =	strace $0x80000046;
	[dreg:$0x1] =	wrdreg $0xFFFFFFFF  }
0xa7: {  	s28 =	simm.s32 $_size_execute0_lowered;
	s3 =	sadd.s32 s3, s5;
	[dreg:$0x0] =	wrdreg $0x0  }
0xa8: {  	s5 =	sshll.u32 s28, $0x1;
	[dreg:$0x2] =	wrdreg s3  }
0xa9: {  	[dreg:$0x3] =	wrdreg s5  }
0xaa: {  	[dreg:$0x4] =	wrdreg $0xC0  }
0xab: {  	_ =	task [dreg:s7], $0x5FFFF  }
0xac: {  	[dreg:$0x1] =	wrdreg $0xFFFFFFFF  }
0xad: {  	[dreg:$0x0] =	wrdreg $0x60  }
0xae: {  	[dreg:$0x2] =	wrdreg s2  }
0xaf: {  	[dreg:$0x3] =	wrdreg s24  }
0xb0: {  	[dreg:$0x4] =	wrdreg $0x28800  }
0xb1: {  	[dreg:$0x5] =	wrdreg $0x9  }
0xb2: {  	_ =	task.clear_ibuf [dreg:s7], $0x6FFFF;
	_ =	strace $0x90000046  }
0xb3: {  	s29 =	simm.s32 $0x9;
	_ =	strace $0x80000048  }
0xb4: {  	_ =	swait.ge [sflag:s29], $0x1  }
0xb5: {  	[sflag:s29] =	ssyncadd.s32 $0xFFFFFFFF  }
0xb6: {  	_ =	strace $0x90000048  }
0xb7: {  	_ =	sfence  }
0xb8: {  	s30 =	sld [smem:$0x0];
	_ =	sdelay $0x2  }
0xb9: {  	s31 =	sshll.u32 s1, $0xD;
	s1 =	sshrl.u32 s1, $0x2  }
0xba: {  	s3 =	sand.u32 $0x4000, s31;
	s1 =	sadd.s32 s1, s30  }
0xbb: {  	s0 =	sor.u32 s3, s0;
	s1 =	sshll.u32 s1, $0x11  }
0xbc: {  	s0 =	sor.u32 s1, s0  }
0xbd: {  	s0 =	sadd.s32 $0x8F2B, s0  }
0xbe: {  	[sflag:s0] =	ssyncadd.remote.s32 $0x1  }
0xbf: {  	_ =	sfence.sel $0xFFFF  }
0xc0: {  	[dreg:$0x0] =	wrdreg $0xFFFFFFFF;
	(pc) =	sbr.abs _section_cstart, $3  }
0xc1: {  	[dreg:$0x1] =	wrdreg $0xFFFFFFFF  }
0xc2: {  	_ =	task.clear_ibuf [dreg:s7], $0x2FFFF;
	_ =	strace $0x9FFFFFFF  }
0xc3: {  	(tm) =	ssettm $0x7FFFFFFF  }
tec
execute0_lowered:
.L_overlay_start_1:
0x0: {  	(tag) =	ssettag $0x1  }
0x1: {  	s7 =	rddreg [dreg:$0x0]  }
0x2: {  	s6 =	rddreg [dreg:$0x1]  }
0x3: {  	s2 =	rddreg [dreg:$0x2]  }
0x4: {  	s0 =	rddreg [dreg:$0x3];
	s4 =	srdreg.scid  }
0x5: {  	s1 =	stileid.u32;
	s3 =	simm.s32 $0x0;
	s13 =	simm.s32 $0x80  }
0x6: {  	s14 =	simm.s32 $0x20;
	s15 =	simm.s32 $0x10;
	s16 =	simm.s32 $0x0  }
0x7: {  	s8 =	sand.u32 $0x1, s4;
	s5 =	smul.u32 $0x500, s1;
	[smem:$0x7FF] =	sst s3  }
0x8: {  	s4 =	sadd.s32 $0x3600, s6;
	s10 =	sshll.u32 s1, $0x1;
	s12 =	smul.u32 $0xA00, s1  }
0x9: {  	s31 =	sshll.u32 s1, $0x6;
	s9 =	sshll.u32 s8, $0x7;
	_ =	strace $0x80000047  }
0xa: {  	s11 =	ssub.s32 $0x2, s8;
	s8 =	sor.u32 s8, s10;
	s9 =	sor.u32 s9, s5  }
0xb: {  	s5 =	sadd.s32 $0x3400, s6;
	s28 =	sshrl.u32 s11, $0x1;
	s8 =	smul.u32 $0x500, s8  }
0xc: {  	s30 =	sshrl.u32 s12, $0x2;
	s9 =	sshrl.u32 s9, $0x3;
	s29 =	ssub.s32 s11, s28  }
0xd: {  	s12 =	sadd.s32 s30, s2;
	s11 =	simm.s32 $0x1;
	s9 =	sadd.s32 s9, s6  }
0xe: {  	s6 =	sor.u32 $0x1C01, s31;
	s7 =	sadd.s32 s7, s8;
	s10 =	sshrl.u32 s12, $0x3  }
0xf: {  	s12 =	simm.s32 $0x2800;
	s8 =	sadd.s32 $0x3800, s9;
	s9 =	smax.u32 s29, $0x1  }
.LBB2_1:
0x10: {  	[spmem:s10], [sflag:s6] =	dma.local [hbm:s5], $0x50  }
0x11: {  	_ =	swait.ge [sflag:s11], $0x50  }
0x12: {  	[sflag:s11] =	ssyncset.done $0x0  }
0x13: {  	[sflag:s11] =	ssyncadd.s32 $0xFFFFFFB0  }
0x14: {  	[tilespmem:s12], [sflag:$0x1] =	stream.linear.gather [hbm4b:s4+s3], $0x80, $0x38;
	[tilespmem:$0x2B00] =	vst v63  }
0x15: {  	_ =	swait.ge [sflag:s11], $0x80  }
0x16: {  	[sflag:s11] =	ssyncset.done $0x0  }
0x17: {  	[sflag:s11] =	ssyncadd.s32 $0xFFFFFF80  }
0x18: {  	[bflag:$0x0] =	sbarrier.arrive $0xFFFF  }
0x19: {  	[tilespmem:s3], [sflag:$0x1] =	stream.linear.gather [hbm4b:s7+s3], $0x2800, $0x38;
	[tilespmem:$0x2B00] =	vst v63  }
0x1a: {  	_ =	swait.ge [sflag:s11], $0x2800  }
0x1b: {  	[sflag:s11] =	ssyncset.done $0x0  }
0x1c: {  	s17 =	simm.s32 $0x0;
	[sflag:s11] =	ssyncadd.s32 $0xFFFFD800  }
0x1d: {  	[spmem:s2] =	stream.indirect.scatter.add.f32 [tilespmem:s12], [sflag:$0x1], $0x1, s17, s13, $0xb8;
	[tilespmem:$0x2B00] =	vst v63  }
0x1e: {  	_ =	swait.ge [sflag:s11], $0x80  }
0x1f: {  	s17 =	simm.s32 $0x200;
	[sflag:s11] =	ssyncset.done $0x0  }
.LBB2_2:
0x20: {  	s18 =	sshra.s32 s17, $0x2;
	[sflag:s11] =	ssyncadd.s32 $0xFFFFFF80;
	p0 =	sne.s32 s17, $0x9E00  }
0x21: {  	[spmem:s2] =	stream.indirect.scatter.add.f32 [tilespmem:s12], [sflag:$0x1], $0x1, s18, s13, $0xb8;
	[tilespmem:$0x2B00] =	vst v63  }
.Ltmp0:
0x22: {  	_ = 	snop;
	(pc) =	sbr.rel @p0 .LBB2_2-.Ltmp0, $4  }
0x23: {  	_ = 	snop  }
0x24: {  	s17 =	sadd.s32 $0x200, s17  }
0x25: {  	_ =	swait.ge [sflag:s11], $0x80  }
0x26: {  	[sflag:s11] =	ssyncset.done $0x0  }
0x27: {  	s16 =	sadd.s32 $0x1, s16  }
0x28: {  	[sflag:s11] =	ssyncadd.s32 $0xFFFFFF80;
	p0 =	sne.s32 s16, s9  }
.Ltmp1:
0x29: {  	[bflag:$0x0] =	sbarrier.arrive $0xFFFF;
	(pc) =	sbr.rel @p0 .LBB2_1-.Ltmp1, $4  }
0x2a: {  	[hbm:s8@s14], [sflag:s6] =	dma.strided [spmem:s10@s15], $0x50, s11, $0x10   }
0x2b: {  	_ =	swait.ge [sflag:s11], $0x50  }
0x2c: {  	[sflag:s11] =	ssyncset.done $0x0  }
0x2d: {  	[sflag:s11] =	ssyncadd.s32 $0xFFFFFFB0  }
0x2e: {  	_ =	sfence.sel $0x180000  }
0x2f: {  	[bflag:$0x0] =	sbarrier.arrive $0xFFFF  }
0x30: {  	p0 =	sne.s32 s1, $0x0;
	_ =	strace $0x90000047  }
0x31: {  	s0 =	sadd.s32 @!p0 $0x100000, s0;
	[bflag:$0x2] =	sbarrier.arrive $0xFFFF  }
0x32: {  	[sflag:s0] =	ssyncadd.tile.s32 @!p0 $0x1;
	_ =	shalt  }
.Lfunc_end2:
_tile_overlayer_lowered:
.L_overlay_start_2:
0x33: {  	(tag) =	ssettag $0x2  }
0x34: {  	s0 =	rddreg [dreg:$0x0];
	s2 =	stileid.u32  }
0x35: {  	s1 =	rddreg [dreg:$0x1];
	p0 =	sne.s32 s2, $0x0  }
0x36: {  	s3 =	rddreg [dreg:$0x2];
	[bflag:$0x3] =	sbarrier.arrive $0xFFFF;
	s2 =	simm.s32 @!p0 $0x1C01  }
0x37: {  	[timem:s3], [sflag:s2] =	dma.local @!p0 [hbm:s0], s1  }
0x38: {  	s0 =	simm.s32 @!p0 $0x1  }
0x39: {  	_ =	swait.ge @!p0 [sflag:s0], s1  }
0x3a: {  	s1 =	ssub.s32 @!p0 $0x0, s1;
	[sflag:s0] =	ssyncset.done @!p0 $0x0  }
0x3b: {  	[sflag:s0] =	ssyncadd.s32 @!p0 s1  }
0x3c: {  	[bflag:$0x3] =	sbarrier.arrive $0xFFFF  }
0x3d: {  	_ =	shalt  }

// kernel: kernel.15.cloned.1.call-start
scs
__scs_entry_jumppad:
0x0: {  	(pc) =	sbr.rel $0x88, $3  }
0x1: {  	(tag) =	ssettag $0x0;
	lr =	simm.s32 $0x1  }
0x2: {  	[smem:$0x3F93] =	sst lr;
	_ =	strace $0xD0000000  }
0x3: {  	_ = 	snop  }
0x4: {  	_ = 	snop  }
0x5: {  	_ = 	snop  }
0x6: {  	_ = 	snop  }
0x7: {  	_ = 	snop  }
__scs_overlays_trampoline_lowered:
0x8: {  	[smem:$0x3FA2] =	sst s0  }
0x9: {  	[smem:$0x3FA3] =	sst s1  }
0xa: {  	[smem:$0x3FA4] =	sst s2  }
0xb: {  	[smem:$0x3FA5] =	sst s3  }
0xc: {  	[smem:$0x3FA6] =	sst s4  }
0xd: {  	[smem:$0x3FA7] =	sst s5  }
0xe: {  	[smem:$0x3FA8] =	sst s6  }
0xf: {  	[smem:$0x3FA9] =	sst s7  }
0x10: {  	[smem:$0x3FAA] =	sst s8  }
0x11: {  	[smem:$0x3FAB] =	sst s9;
	s0 =	simm.s32 @!p0 $0x0  }
0x12: {  	s1 =	sld [smem:$0x3F91];
	s0 =	simm.s32 @p0 $0x1  }
0x13: {  	[smem:$0x3FAC] =	sst s0;
	s0 =	simm.s32 @!p1 $0x0  }
0x14: {  	s2 =	sld [smem:$0x3F90];
	s0 =	simm.s32 @p1 $0x1  }
0x15: {  	[smem:$0x3FAD] =	sst s0;
	s0 =	simm.s32 @!p2 $0x0  }
0x16: {  	s3 =	sld [smem:$0x3FDB];
	s0 =	simm.s32 @p2 $0x1  }
0x17: {  	s4 =	simm.s32 $0x1BF5;
	[smem:$0x3FAF] =	sst s0  }
0x18: {  	s0 =	sld [smem:$0x3F92];
	_ =	swait.ge [sflag:s4], $0x0  }
0x19: {  	s7 =	sld [smem:$0x3F93]  }
0x1a: {  	s8 =	sadd.s32 $0xFFFFE003, lr  }
0x1b: {  	s9 =	sadd.s32 $0xFFFFFEF7, lr;
	s5 =	simm.s32 $0xFFFFFFFF;
	p2 =	slt.u32 s8, $0xFFFFF086  }
0x1c: {  	p1 =	slt.u32 s9, $0xF7A;
	s5 =	simm.s32 @!p2 $0x0  }
0x1d: {  	s5 =	simm.s32 @p1 $0x1;
	p0 =	seq.s32 s7, s2  }
0x1e: {  	s7 =	smul.u32 @!p0 $0xF7A, s2;
	p2 =	seq.s32 @!p0 s5, $0x0  }
0x1f: {  	s9 =	smul.u32 $0xF7A, s1;
	s8 =	simm.s32 @!p0 $0x1BF5;
	p2 =	por !p2, p0  }
0x20: {  	[sflag:s8] =	ssyncset.s32 @!p0 $0xFFFFF086;
	s6 =	sadd.s32 @!p0 s3, s7;
	s7 =	simm.s32 @!p0 $0x108  }
0x21: {  	s3 =	sadd.s32 s3, s9;
	s6 =	sadd.s32 @!p0 $0x88, s6;
	s7 =	simm.s32 @p2 $0x1082  }
0x22: {  	[simem:s7], [sflag:s8] =	dma.local @!p0 [hbm:s6], $0xF7A  }
0x23: {  	s9 =	sor.u32 $0xD0000000, s2;
	s6 =	simm.s32 $0x108;
	_ =	swait.ge @!p0 [sflag:s8], $0x0  }
0x24: {  	s3 =	sadd.s32 $0x88, s3;
	s6 =	simm.s32 @!p1 $0x1082;
	[sflag:s4] =	ssyncset.s32 $0xFFFFF086  }
0x25: {  	[simem:s6], [sflag:s4] =	dma.local [hbm:s3], $0xF7A  }
0x26: {  	[smem:$0x3F93] =	sst s1;
	(tag) =	ssettag s2;
	_ =	strace s9  }
0x27: {  	s1 =	sld [smem:$0x3FA3]  }
0x28: {  	s2 =	sld [smem:$0x3FA4]  }
0x29: {  	s4 =	sld [smem:$0x3FA6]  }
0x2a: {  	p0 =	seq.s32 s5, $0x0;
	s5 =	sld [smem:$0x3FA7]  }
0x2b: {  	s6 =	sld [smem:$0x3FA8]  }
0x2c: {  	s7 =	sld [smem:$0x3FA9]  }
0x2d: {  	s3 =	simm.s32 $0x108;
	s8 =	sld [smem:$0x3FAA]  }
0x2e: {  	s3 =	simm.s32 @!p0 $0x1082;
	s9 =	sld [smem:$0x3FAB]  }
0x2f: {  	lr =	sadd.s32 s0, s3;
	s0 =	sld [smem:$0x3FA2]  }
0x30: {  	s3 =	sld [smem:$0x3FA5]  }
0x31: {  	[smem:$0x3FAE] =	sst s10  }
0x32: {  	s10 =	sld [smem:$0x3FAC];
	_ =	sdelay $0x3  }
0x33: {  	p0 =	seq.s32 s10, $0x1;
	s10 =	sld [smem:$0x3FAE];
	_ =	sdelay $0x3  }
0x34: {  	[smem:$0x3FAE] =	sst s10  }
0x35: {  	s10 =	sld [smem:$0x3FAD];
	_ =	sdelay $0x3  }
0x36: {  	p1 =	seq.s32 s10, $0x1;
	s10 =	sld [smem:$0x3FAE];
	_ =	sdelay $0x3  }
0x37: {  	[smem:$0x3FAE] =	sst s10  }
0x38: {  	s10 =	sld [smem:$0x3FAF]  }
0x39: {  	_ = 	snop;
	(pc) =	sbr.ind lr, $3  }
0x3a: {  	_ = 	snop  }
0x3b: {  	_ = 	snop  }
0x3c: {  	p2 =	seq.s32 s10, $0x1;
	s10 =	sld [smem:$0x3FAE]  }
0x3d: {  	_ =	shalt  }
0x3e: {  	_ =	shalt  }
0x3f: {  	_ =	shalt  }
0x40: {  	_ =	shalt  }
0x41: {  	_ =	shalt  }
0x42: {  	_ =	shalt  }
0x43: {  	_ =	shalt  }
0x44: {  	_ =	shalt  }
0x45: {  	_ =	shalt  }
0x46: {  	_ =	shalt  }
0x47: {  	_ =	shalt  }
0x48: {  	_ =	shalt  }
0x49: {  	_ =	shalt  }
0x4a: {  	_ =	shalt  }
0x4b: {  	_ =	shalt  }
0x4c: {  	_ =	shalt  }
0x4d: {  	_ =	shalt  }
0x4e: {  	_ =	shalt  }
0x4f: {  	_ =	shalt  }
0x50: {  	_ =	shalt  }
0x51: {  	_ =	shalt  }
0x52: {  	_ =	shalt  }
0x53: {  	_ =	shalt  }
0x54: {  	_ =	shalt  }
0x55: {  	_ =	shalt  }
0x56: {  	_ =	shalt  }
0x57: {  	_ =	shalt  }
0x58: {  	_ =	shalt  }
0x59: {  	_ =	shalt  }
0x5a: {  	_ =	shalt  }
0x5b: {  	_ =	shalt  }
0x5c: {  	_ =	shalt  }
0x5d: {  	_ =	shalt  }
0x5e: {  	_ =	shalt  }
0x5f: {  	_ =	shalt  }
0x60: {  	_ =	shalt  }
0x61: {  	_ =	shalt  }
0x62: {  	_ =	shalt  }
0x63: {  	_ =	shalt  }
0x64: {  	_ =	shalt  }
0x65: {  	_ =	shalt  }
0x66: {  	_ =	shalt  }
0x67: {  	_ =	shalt  }
0x68: {  	_ =	shalt  }
0x69: {  	_ =	shalt  }
0x6a: {  	_ =	shalt  }
0x6b: {  	_ =	shalt  }
0x6c: {  	_ =	shalt  }
0x6d: {  	_ =	shalt  }
0x6e: {  	_ =	shalt  }
0x6f: {  	_ =	shalt  }
0x70: {  	_ =	shalt  }
0x71: {  	_ =	shalt  }
0x72: {  	_ =	shalt  }
0x73: {  	_ =	shalt  }
0x74: {  	_ =	shalt  }
0x75: {  	_ =	shalt  }
0x76: {  	_ =	shalt  }
0x77: {  	_ =	shalt  }
0x78: {  	_ =	shalt  }
0x79: {  	_ =	shalt  }
0x7a: {  	_ =	shalt  }
0x7b: {  	_ =	shalt  }
0x7c: {  	_ =	shalt  }
0x7d: {  	_ =	shalt  }
0x7e: {  	_ =	shalt  }
0x7f: {  	_ =	shalt  }
0x80: {  	_ =	shalt  }
0x81: {  	_ =	shalt  }
0x82: {  	_ =	shalt  }
0x83: {  	_ =	shalt  }
0x84: {  	_ =	shalt  }
0x85: {  	_ =	shalt  }
0x86: {  	_ =	shalt  }
0x87: {  	_ =	shalt  }
.Lfunc_end0:
.L_simem_size_0:
called_computation.1_lowered:
.L_overlay_start_0:
0x88: {  	s2 =	sld [smem:$0x3FD9]  }
0x89: {  	s3 =	sld [smem:$0x3FFE];
	_ =	sdelay $0x1  }
0x8a: {  	s1 =	srdreg.scid  }
0x8b: {  	s0 =	sand.u32 $0x1, s1  }
0x8c: {  	s17 =	sshll.u32 s0, $0xA;
	s2 =	sadd.s32 s3, s2  }
0x8d: {  	s2 =	sadd.s32 s2, s17  }
0x8e: {  	[smem:$0x3FBA] =	sst s2  }
0x8f: {  	_ = 	snop  }
0x90: {  	s2 =	sld [smem:$0x3FD0];
	(tm) =	ssettm $0x1  }
0x91: {  	s18 =	sld [smem:$0x3FFB];
	_ =	sdelay $0x3  }
0x92: {  	_ =	strace s18  }
0x93: {  	s3 =	sld [smem:$0x3FFC];
	_ =	sdelay $0x3  }
0x94: {  	_ =	strace s3  }
0x95: {  	s3 =	sld [smem:$0x3FFD];
	_ =	sdelay $0x3  }
0x96: {  	_ =	strace s3  }
0x97: {  	_ =	strace $0x8FFFFFFF  }
0x98: {  	s19 =	sld [smem:$0x3FDB];
	_ =	sdelay $0x1  }
0x99: {  	s4 =	simm.s32 $_scs_section_size  }
0x9a: {  	s5 =	simm.s32 $_size__tile_overlayer_lowered;
	s6 =	simm.s32 $_tile_overlayer_lowered  }
0x9b: {  	s22 =	simm.s32 $0x1BFF;
	s21 =	sshll.u32 s6, $0x1;
	s3 =	sadd.s32 s4, s19  }
0x9c: {  	s7 =	simm.s32 $0x0;
	s20 =	sshll.u32 s5, $0x1;
	s5 =	sadd.s32 s21, s3  }
0x9d: {  	[timem:s7], [sflag:s22] =	dma.local [hbm:s5], s20  }
0x9e: {  	_ =	swait.ge [sflag:s22], s20  }
0x9f: {  	s4 =	ssub.s32 $0x0, s20;
	[sflag:s22] =	ssyncset.done $0x0  }
0xa0: {  	[sflag:s22] =	ssyncadd.s32 s4;
	_ =	sdelay $0x1  }
0xa1: {  	s23 =	simm.s32 $0x1B8B  }
0xa2: {  	_ =	swait.ge [sflag:s23], $0x1  }
0xa3: {  	[sflag:s23] =	ssyncset.done $0x0  }
0xa4: {  	s25 =	simm.s32 $0x1B8E;
	s24 =	sld [smem:$0x3FFE];
	[sflag:s23] =	ssyncadd.s32 $0xFFFFFFFF  }
0xa5: {  	s26 =	simm.s32 $execute0_lowered;
	[smem:$0x3FD2] =	sst s25  }
0xa6: {  	s5 =	sshll.u32 s26, $0x1;
	_ =	strace $0x80000049;
	[dreg:$0x1] =	wrdreg $0xFFFFFFFF  }
0xa7: {  	s28 =	simm.s32 $_size_execute0_lowered;
	s3 =	sadd.s32 s3, s5;
	[dreg:$0x0] =	wrdreg $0x0  }
0xa8: {  	s5 =	sshll.u32 s28, $0x1;
	[dreg:$0x2] =	wrdreg s3  }
0xa9: {  	[dreg:$0x3] =	wrdreg s5  }
0xaa: {  	[dreg:$0x4] =	wrdreg $0xC0  }
0xab: {  	_ =	task [dreg:s7], $0x5FFFF  }
0xac: {  	[dreg:$0x1] =	wrdreg $0xFFFFFFFF  }
0xad: {  	[dreg:$0x0] =	wrdreg $0x60  }
0xae: {  	[dreg:$0x2] =	wrdreg s24  }
0xaf: {  	[dreg:$0x3] =	wrdreg s2  }
0xb0: {  	[dreg:$0x4] =	wrdreg $0x90000  }
0xb1: {  	[dreg:$0x5] =	wrdreg $0x9  }
0xb2: {  	_ =	task.clear_ibuf [dreg:s7], $0x6FFFF;
	_ =	strace $0x90000049  }
0xb3: {  	s29 =	simm.s32 $0x9;
	_ =	strace $0x8000004B  }
0xb4: {  	_ =	swait.ge [sflag:s29], $0x1  }
0xb5: {  	[sflag:s29] =	ssyncadd.s32 $0xFFFFFFFF  }
0xb6: {  	_ =	strace $0x9000004B  }
0xb7: {  	_ =	sfence  }
0xb8: {  	s30 =	sld [smem:$0x0];
	_ =	sdelay $0x2  }
0xb9: {  	s31 =	sshll.u32 s1, $0xD;
	s1 =	sshrl.u32 s1, $0x2  }
0xba: {  	s3 =	sand.u32 $0x4000, s31;
	s1 =	sadd.s32 s1, s30  }
0xbb: {  	s0 =	sor.u32 s3, s0;
	s1 =	sshll.u32 s1, $0x11  }
0xbc: {  	s0 =	sor.u32 s1, s0  }
0xbd: {  	s0 =	sadd.s32 $0x8F2B, s0  }
0xbe: {  	[sflag:s0] =	ssyncadd.remote.s32 $0x1  }
0xbf: {  	_ =	sfence.sel $0xFFFF  }
0xc0: {  	[dreg:$0x0] =	wrdreg $0xFFFFFFFF;
	(pc) =	sbr.abs _section_cstart, $3  }
0xc1: {  	[dreg:$0x1] =	wrdreg $0xFFFFFFFF  }
0xc2: {  	_ =	task.clear_ibuf [dreg:s7], $0x2FFFF;
	_ =	strace $0x9FFFFFFF  }
0xc3: {  	(tm) =	ssettm $0x7FFFFFFF  }
tec
execute0_lowered:
.L_overlay_start_1:
0x0: {  	(tag) =	ssettag $0x1  }
0x1: {  	s6 =	rddreg [dreg:$0x0]  }
0x2: {  	s8 =	rddreg [dreg:$0x1]  }
0x3: {  	s2 =	rddreg [dreg:$0x2]  }
0x4: {  	s0 =	rddreg [dreg:$0x3];
	s3 =	srdreg.scid  }
0x5: {  	s1 =	stileid.u32;
	s14 =	simm.s32 $0x80;
	s15 =	simm.s32 $0x5000  }
0x6: {  	s16 =	simm.s32 $0x1;
	s17 =	simm.s32 $0x0;
	s5 =	sand.u32 $0x1, s3  }
0x7: {  	s4 =	sshll.u32 s1, $0x1;
	s7 =	smul.u32 $0x14000, s1;
	s3 =	simm.s32 $0x0  }
0x8: {  	s31 =	sshll.u32 s1, $0x6;
	s4 =	sor.u32 s5, s4;
	s9 =	smul.u32 $0x140000, s5  }
0x9: {  	[smem:$0x7FF] =	sst s3;
	s12 =	ssub.s32 $0x2, s5;
	s5 =	sadd.s32 $0x36200, s6  }
0xa: {  	s10 =	smul.u32 $0x500, s4;
	_ =	strace $0x8000004A;
	s4 =	sadd.s32 $0xE200, s6  }
0xb: {  	s30 =	sshrl.u32 s12, $0x1;
	s13 =	sadd.s32 s7, s2;
	s9 =	sadd.s32 s7, s9  }
0xc: {  	s12 =	ssub.s32 s12, s30;
	s11 =	sadd.s32 s10, s6;
	s9 =	sshrl.u32 s9, $0x3  }
0xd: {  	s8 =	sadd.s32 s8, s10;
	s10 =	smax.u32 s12, $0x1;
	s12 =	simm.s32 $0x2  }
0xe: {  	s9 =	sadd.s32 s9, s6;
	s6 =	sor.u32 $0x1C02, s31;
	s7 =	sadd.s32 $0x4200, s11  }
0xf: {  	s11 =	sshrl.u32 s13, $0x3;
	s13 =	simm.s32 $0x2800;
	s9 =	sadd.s32 $0x38A00, s9  }
.LBB2_1:
0x10: {  	[spmem:s11], [sflag:s6] =	dma.local [hbm:s5], $0x2800  }
0x11: {  	_ =	swait.ge [sflag:s12], $0x2800  }
0x12: {  	[sflag:s12] =	ssyncset.done $0x0  }
0x13: {  	[sflag:s12] =	ssyncadd.s32 $0xFFFFD800  }
0x14: {  	[bflag:$0x0] =	sbarrier.arrive $0xFFFF  }
0x15: {  	[tilespmem:s3], [sflag:$0x2] =	stream.linear.gather [hbm4b:s7+s3], $0x2800, $0x38;
	[tilespmem:$0x1D000] =	vst v63  }
0x16: {  	_ =	swait.ge [sflag:s12], $0x2800  }
0x17: {  	[sflag:s12] =	ssyncset.done $0x0  }
0x18: {  	[sflag:s12] =	ssyncadd.s32 $0xFFFFD800  }
0x19: {  	[tilespmem:s13], [sflag:$0x2] =	stream.linear.gather [hbm4b:s8+s3], $0x2800, $0x38;
	[tilespmem:$0x1D000] =	vst v63  }
0x1a: {  	_ =	swait.ge [sflag:s12], $0x2800  }
0x1b: {  	[sflag:s12] =	ssyncset.done $0x0  }
0x1c: {  	s18 =	simm.s32 $0x0;
	[sflag:s12] =	ssyncadd.s32 $0xFFFFD800  }
0x1d: {  	[tilespmem:s15], [sflag:$0x1] =	stream.indirect.gather [hbm4b:s4+s14], $0x80, s18, s14, $0xb8;
	[tilespmem:$0x1D000] =	vst v63  }
0x1e: {  	_ =	swait.ge [sflag:s16], $0x4000  }
0x1f: {  	[sflag:s16] =	ssyncset.done $0x0  }
0x20: {  	s31 =	simm.s32 $0x2800;
	[sflag:s16] =	ssyncadd.s32 $0xFFFFC000  }
0x21: {  	[spmem:s2] =	stream.indirect.scatter.add.f32 [tilespmem:s15], [sflag:$0x2], $0x80, s31, s14, $0xb8;
	[tilespmem:$0x1D000] =	vst v63  }
0x22: {  	_ =	swait.ge [sflag:s12], $0x4000  }
0x23: {  	s19 =	simm.s32 $0x400;
	s18 =	simm.s32 $0x200;
	[sflag:s12] =	ssyncset.done $0x0  }
.LBB2_2:
0x24: {  	s20 =	sshra.s32 s18, $0x2  }
0x25: {  	[sflag:s12] =	ssyncadd.s32 $0xFFFFC000;
	s18 =	smov.u32 s19;
	s21 =	sadd.s32 $0x200, s19  }
0x26: {  	[tilespmem:s15], [sflag:$0x1] =	stream.indirect.gather [hbm4b:s4+s14], $0x80, s20, s14, $0xb8;
	[tilespmem:$0x1D000] =	vst v63  }
0x27: {  	p0 =	sne.s32 s19, $0x9E00;
	_ =	swait.ge [sflag:s16], $0x4000  }
.Ltmp0:
0x28: {  	[sflag:s16] =	ssyncset.done $0x0;
	(pc) =	sbr.rel @p0 .LBB2_2-.Ltmp0, $4  }
0x29: {  	s19 =	sadd.s32 $0x2800, s20;
	[sflag:s16] =	ssyncadd.s32 $0xFFFFC000  }
0x2a: {  	[spmem:s2] =	stream.indirect.scatter.add.f32 [tilespmem:s15], [sflag:$0x2], $0x80, s19, s14, $0xb8;
	[tilespmem:$0x1D000] =	vst v63  }
0x2b: {  	_ =	swait.ge [sflag:s12], $0x4000  }
0x2c: {  	s19 =	smov.u32 s21;
	[sflag:s12] =	ssyncset.done $0x0  }
0x2d: {  	s18 =	sshra.s32 s18, $0x2;
	[sflag:s12] =	ssyncadd.s32 $0xFFFFC000  }
0x2e: {  	[tilespmem:s15], [sflag:$0x1] =	stream.indirect.gather [hbm4b:s4+s14], $0x80, s18, s14, $0xb8;
	[tilespmem:$0x1D000] =	vst v63  }
0x2f: {  	_ =	swait.ge [sflag:s16], $0x4000  }
0x30: {  	[sflag:s16] =	ssyncset.done $0x0  }
0x31: {  	s18 =	sadd.s32 $0x2800, s18;
	[sflag:s16] =	ssyncadd.s32 $0xFFFFC000  }
0x32: {  	[spmem:s2] =	stream.indirect.scatter.add.f32 [tilespmem:s15], [sflag:$0x2], $0x80, s18, s14, $0xb8;
	[tilespmem:$0x1D000] =	vst v63  }
0x33: {  	_ =	swait.ge [sflag:s12], $0x4000  }
0x34: {  	s17 =	sadd.s32 $0x1, s17;
	[sflag:s12] =	ssyncset.done $0x0  }
0x35: {  	p0 =	sne.s32 s17, s10;
	[sflag:s12] =	ssyncadd.s32 $0xFFFFC000  }
.Ltmp1:
0x36: {  	[bflag:$0x0] =	sbarrier.arrive $0xFFFF;
	(pc) =	sbr.rel @p0 .LBB2_1-.Ltmp1, $4  }
0x37: {  	[hbm:s9], [sflag:s6] =	dma.local [spmem:s11], $0x2800  }
0x38: {  	_ =	swait.ge [sflag:s12], $0x2800  }
0x39: {  	[sflag:s12] =	ssyncset.done $0x0  }
0x3a: {  	[sflag:s12] =	ssyncadd.s32 $0xFFFFD800  }
0x3b: {  	_ =	sfence.sel $0x180000  }
0x3c: {  	[bflag:$0x0] =	sbarrier.arrive $0xFFFF  }
0x3d: {  	p0 =	sne.s32 s1, $0x0;
	_ =	strace $0x9000004A  }
0x3e: {  	s0 =	sadd.s32 @!p0 $0x100000, s0;
	[bflag:$0x2] =	sbarrier.arrive $0xFFFF  }
0x3f: {  	[sflag:s0] =	ssyncadd.tile.s32 @!p0 $0x1;
	_ =	shalt  }
.Lfunc_end2:
_tile_overlayer_lowered:
.L_overlay_start_2:
0x40: {  	(tag) =	ssettag $0x2  }
0x41: {  	s0 =	rddreg [dreg:$0x0];
	s2 =	stileid.u32  }
0x42: {  	s1 =	rddreg [dreg:$0x1];
	p0 =	sne.s32 s2, $0x0  }
0x43: {  	s3 =	rddreg [dreg:$0x2];
	[bflag:$0x3] =	sbarrier.arrive $0xFFFF;
	s2 =	simm.s32 @!p0 $0x1C02  }
0x44: {  	[timem:s3], [sflag:s2] =	dma.local @!p0 [hbm:s0], s1  }
0x45: {  	s0 =	simm.s32 @!p0 $0x2  }
0x46: {  	_ =	swait.ge @!p0 [sflag:s0], s1  }
0x47: {  	s1 =	ssub.s32 @!p0 $0x0, s1;
	[sflag:s0] =	ssyncset.done @!p0 $0x0  }
0x48: {  	[sflag:s0] =	ssyncadd.s32 @!p0 s1  }
0x49: {  	[bflag:$0x3] =	sbarrier.arrive $0xFFFF  }
0x4a: {  	_ =	shalt  }

// kernel: kernel.18.cloned.1.call-start
scs
__scs_entry_jumppad:
0x0: {  	(pc) =	sbr.rel $0x88, $3  }
0x1: {  	(tag) =	ssettag $0x0;
	lr =	simm.s32 $0x1  }
0x2: {  	[smem:$0x3F93] =	sst lr;
	_ =	strace $0xD0000000  }
0x3: {  	_ = 	snop  }
0x4: {  	_ = 	snop  }
0x5: {  	_ = 	snop  }
0x6: {  	_ = 	snop  }
0x7: {  	_ = 	snop  }
__scs_overlays_trampoline_lowered:
0x8: {  	[smem:$0x3FA2] =	sst s0  }
0x9: {  	[smem:$0x3FA3] =	sst s1  }
0xa: {  	[smem:$0x3FA4] =	sst s2  }
0xb: {  	[smem:$0x3FA5] =	sst s3  }
0xc: {  	[smem:$0x3FA6] =	sst s4  }
0xd: {  	[smem:$0x3FA7] =	sst s5  }
0xe: {  	[smem:$0x3FA8] =	sst s6  }
0xf: {  	[smem:$0x3FA9] =	sst s7  }
0x10: {  	[smem:$0x3FAA] =	sst s8  }
0x11: {  	[smem:$0x3FAB] =	sst s9;
	s0 =	simm.s32 @!p0 $0x0  }
0x12: {  	s1 =	sld [smem:$0x3F91];
	s0 =	simm.s32 @p0 $0x1  }
0x13: {  	[smem:$0x3FAC] =	sst s0;
	s0 =	simm.s32 @!p1 $0x0  }
0x14: {  	s2 =	sld [smem:$0x3F90];
	s0 =	simm.s32 @p1 $0x1  }
0x15: {  	[smem:$0x3FAD] =	sst s0;
	s0 =	simm.s32 @!p2 $0x0  }
0x16: {  	s3 =	sld [smem:$0x3FDB];
	s0 =	simm.s32 @p2 $0x1  }
0x17: {  	s4 =	simm.s32 $0x1BF5;
	[smem:$0x3FAF] =	sst s0  }
0x18: {  	s0 =	sld [smem:$0x3F92];
	_ =	swait.ge [sflag:s4], $0x0  }
0x19: {  	s7 =	sld [smem:$0x3F93]  }
0x1a: {  	s8 =	sadd.s32 $0xFFFFE003, lr  }
0x1b: {  	s9 =	sadd.s32 $0xFFFFFEF7, lr;
	s5 =	simm.s32 $0xFFFFFFFF;
	p2 =	slt.u32 s8, $0xFFFFF086  }
0x1c: {  	p1 =	slt.u32 s9, $0xF7A;
	s5 =	simm.s32 @!p2 $0x0  }
0x1d: {  	s5 =	simm.s32 @p1 $0x1;
	p0 =	seq.s32 s7, s2  }
0x1e: {  	s7 =	smul.u32 @!p0 $0xF7A, s2;
	p2 =	seq.s32 @!p0 s5, $0x0  }
0x1f: {  	s9 =	smul.u32 $0xF7A, s1;
	s8 =	simm.s32 @!p0 $0x1BF5;
	p2 =	por !p2, p0  }
0x20: {  	[sflag:s8] =	ssyncset.s32 @!p0 $0xFFFFF086;
	s6 =	sadd.s32 @!p0 s3, s7;
	s7 =	simm.s32 @!p0 $0x108  }
0x21: {  	s3 =	sadd.s32 s3, s9;
	s6 =	sadd.s32 @!p0 $0x88, s6;
	s7 =	simm.s32 @p2 $0x1082  }
0x22: {  	[simem:s7], [sflag:s8] =	dma.local @!p0 [hbm:s6], $0xF7A  }
0x23: {  	s9 =	sor.u32 $0xD0000000, s2;
	s6 =	simm.s32 $0x108;
	_ =	swait.ge @!p0 [sflag:s8], $0x0  }
0x24: {  	s3 =	sadd.s32 $0x88, s3;
	s6 =	simm.s32 @!p1 $0x1082;
	[sflag:s4] =	ssyncset.s32 $0xFFFFF086  }
0x25: {  	[simem:s6], [sflag:s4] =	dma.local [hbm:s3], $0xF7A  }
0x26: {  	[smem:$0x3F93] =	sst s1;
	(tag) =	ssettag s2;
	_ =	strace s9  }
0x27: {  	s1 =	sld [smem:$0x3FA3]  }
0x28: {  	s2 =	sld [smem:$0x3FA4]  }
0x29: {  	s4 =	sld [smem:$0x3FA6]  }
0x2a: {  	p0 =	seq.s32 s5, $0x0;
	s5 =	sld [smem:$0x3FA7]  }
0x2b: {  	s6 =	sld [smem:$0x3FA8]  }
0x2c: {  	s7 =	sld [smem:$0x3FA9]  }
0x2d: {  	s3 =	simm.s32 $0x108;
	s8 =	sld [smem:$0x3FAA]  }
0x2e: {  	s3 =	simm.s32 @!p0 $0x1082;
	s9 =	sld [smem:$0x3FAB]  }
0x2f: {  	lr =	sadd.s32 s0, s3;
	s0 =	sld [smem:$0x3FA2]  }
0x30: {  	s3 =	sld [smem:$0x3FA5]  }
0x31: {  	[smem:$0x3FAE] =	sst s10  }
0x32: {  	s10 =	sld [smem:$0x3FAC];
	_ =	sdelay $0x3  }
0x33: {  	p0 =	seq.s32 s10, $0x1;
	s10 =	sld [smem:$0x3FAE];
	_ =	sdelay $0x3  }
0x34: {  	[smem:$0x3FAE] =	sst s10  }
0x35: {  	s10 =	sld [smem:$0x3FAD];
	_ =	sdelay $0x3  }
0x36: {  	p1 =	seq.s32 s10, $0x1;
	s10 =	sld [smem:$0x3FAE];
	_ =	sdelay $0x3  }
0x37: {  	[smem:$0x3FAE] =	sst s10  }
0x38: {  	s10 =	sld [smem:$0x3FAF]  }
0x39: {  	_ = 	snop;
	(pc) =	sbr.ind lr, $3  }
0x3a: {  	_ = 	snop  }
0x3b: {  	_ = 	snop  }
0x3c: {  	p2 =	seq.s32 s10, $0x1;
	s10 =	sld [smem:$0x3FAE]  }
0x3d: {  	_ =	shalt  }
0x3e: {  	_ =	shalt  }
0x3f: {  	_ =	shalt  }
0x40: {  	_ =	shalt  }
0x41: {  	_ =	shalt  }
0x42: {  	_ =	shalt  }
0x43: {  	_ =	shalt  }
0x44: {  	_ =	shalt  }
0x45: {  	_ =	shalt  }
0x46: {  	_ =	shalt  }
0x47: {  	_ =	shalt  }
0x48: {  	_ =	shalt  }
0x49: {  	_ =	shalt  }
0x4a: {  	_ =	shalt  }
0x4b: {  	_ =	shalt  }
0x4c: {  	_ =	shalt  }
0x4d: {  	_ =	shalt  }
0x4e: {  	_ =	shalt  }
0x4f: {  	_ =	shalt  }
0x50: {  	_ =	shalt  }
0x51: {  	_ =	shalt  }
0x52: {  	_ =	shalt  }
0x53: {  	_ =	shalt  }
0x54: {  	_ =	shalt  }
0x55: {  	_ =	shalt  }
0x56: {  	_ =	shalt  }
0x57: {  	_ =	shalt  }
0x58: {  	_ =	shalt  }
0x59: {  	_ =	shalt  }
0x5a: {  	_ =	shalt  }
0x5b: {  	_ =	shalt  }
0x5c: {  	_ =	shalt  }
0x5d: {  	_ =	shalt  }
0x5e: {  	_ =	shalt  }
0x5f: {  	_ =	shalt  }
0x60: {  	_ =	shalt  }
0x61: {  	_ =	shalt  }
0x62: {  	_ =	shalt  }
0x63: {  	_ =	shalt  }
0x64: {  	_ =	shalt  }
0x65: {  	_ =	shalt  }
0x66: {  	_ =	shalt  }
0x67: {  	_ =	shalt  }
0x68: {  	_ =	shalt  }
0x69: {  	_ =	shalt  }
0x6a: {  	_ =	shalt  }
0x6b: {  	_ =	shalt  }
0x6c: {  	_ =	shalt  }
0x6d: {  	_ =	shalt  }
0x6e: {  	_ =	shalt  }
0x6f: {  	_ =	shalt  }
0x70: {  	_ =	shalt  }
0x71: {  	_ =	shalt  }
0x72: {  	_ =	shalt  }
0x73: {  	_ =	shalt  }
0x74: {  	_ =	shalt  }
0x75: {  	_ =	shalt  }
0x76: {  	_ =	shalt  }
0x77: {  	_ =	shalt  }
0x78: {  	_ =	shalt  }
0x79: {  	_ =	shalt  }
0x7a: {  	_ =	shalt  }
0x7b: {  	_ =	shalt  }
0x7c: {  	_ =	shalt  }
0x7d: {  	_ =	shalt  }
0x7e: {  	_ =	shalt  }
0x7f: {  	_ =	shalt  }
0x80: {  	_ =	shalt  }
0x81: {  	_ =	shalt  }
0x82: {  	_ =	shalt  }
0x83: {  	_ =	shalt  }
0x84: {  	_ =	shalt  }
0x85: {  	_ =	shalt  }
0x86: {  	_ =	shalt  }
0x87: {  	_ =	shalt  }
.Lfunc_end0:
.L_simem_size_0:
called_computation.2_lowered:
.L_overlay_start_0:
0x88: {  	s2 =	sld [smem:$0x3FD9]  }
0x89: {  	s3 =	sld [smem:$0x3FFE];
	_ =	sdelay $0x1  }
0x8a: {  	s1 =	srdreg.scid  }
0x8b: {  	s0 =	sand.u32 $0x1, s1  }
0x8c: {  	s17 =	sshll.u32 s0, $0xA;
	s2 =	sadd.s32 s3, s2  }
0x8d: {  	s2 =	sadd.s32 s2, s17  }
0x8e: {  	[smem:$0x3FBA] =	sst s2  }
0x8f: {  	_ = 	snop  }
0x90: {  	s2 =	sld [smem:$0x3FD0];
	(tm) =	ssettm $0x1  }
0x91: {  	s18 =	sld [smem:$0x3FFB];
	_ =	sdelay $0x3  }
0x92: {  	_ =	strace s18  }
0x93: {  	s3 =	sld [smem:$0x3FFC];
	_ =	sdelay $0x3  }
0x94: {  	_ =	strace s3  }
0x95: {  	s3 =	sld [smem:$0x3FFD];
	_ =	sdelay $0x3  }
0x96: {  	_ =	strace s3  }
0x97: {  	_ =	strace $0x8FFFFFFF  }
0x98: {  	s19 =	sld [smem:$0x3FDB];
	_ =	sdelay $0x1  }
0x99: {  	s4 =	simm.s32 $_scs_section_size  }
0x9a: {  	s5 =	simm.s32 $_size__tile_overlayer_lowered;
	s6 =	simm.s32 $_tile_overlayer_lowered  }
0x9b: {  	s22 =	simm.s32 $0x1BFF;
	s21 =	sshll.u32 s6, $0x1;
	s3 =	sadd.s32 s4, s19  }
0x9c: {  	s7 =	simm.s32 $0x0;
	s20 =	sshll.u32 s5, $0x1;
	s5 =	sadd.s32 s21, s3  }
0x9d: {  	[timem:s7], [sflag:s22] =	dma.local [hbm:s5], s20  }
0x9e: {  	_ =	swait.ge [sflag:s22], s20  }
0x9f: {  	s4 =	ssub.s32 $0x0, s20;
	[sflag:s22] =	ssyncset.done $0x0  }
0xa0: {  	[sflag:s22] =	ssyncadd.s32 s4;
	_ =	sdelay $0x1  }
0xa1: {  	s23 =	simm.s32 $0x1B8B  }
0xa2: {  	_ =	swait.ge [sflag:s23], $0x1  }
0xa3: {  	[sflag:s23] =	ssyncset.done $0x0  }
0xa4: {  	s25 =	simm.s32 $0x1B8E;
	s24 =	sld [smem:$0x3FFE];
	[sflag:s23] =	ssyncadd.s32 $0xFFFFFFFF  }
0xa5: {  	s26 =	simm.s32 $execute0_lowered;
	[smem:$0x3FD2] =	sst s25  }
0xa6: {  	s5 =	sshll.u32 s26, $0x1;
	_ =	strace $0x8000004C;
	[dreg:$0x1] =	wrdreg $0xFFFFFFFF  }
0xa7: {  	s28 =	simm.s32 $_size_execute0_lowered;
	s3 =	sadd.s32 s3, s5;
	[dreg:$0x0] =	wrdreg $0x0  }
0xa8: {  	s5 =	sshll.u32 s28, $0x1;
	[dreg:$0x2] =	wrdreg s3  }
0xa9: {  	[dreg:$0x3] =	wrdreg s5  }
0xaa: {  	[dreg:$0x4] =	wrdreg $0xC0  }
0xab: {  	_ =	task [dreg:s7], $0x5FFFF  }
0xac: {  	[dreg:$0x1] =	wrdreg $0xFFFFFFFF  }
0xad: {  	[dreg:$0x0] =	wrdreg $0x60  }
0xae: {  	[dreg:$0x2] =	wrdreg s24  }
0xaf: {  	[dreg:$0x3] =	wrdreg s2  }
0xb0: {  	[dreg:$0x4] =	wrdreg $0x90000  }
0xb1: {  	[dreg:$0x5] =	wrdreg $0x9  }
0xb2: {  	_ =	task.clear_ibuf [dreg:s7], $0x6FFFF;
	_ =	strace $0x9000004C  }
0xb3: {  	s29 =	simm.s32 $0x9;
	_ =	strace $0x8000004E  }
0xb4: {  	_ =	swait.ge [sflag:s29], $0x1  }
0xb5: {  	[sflag:s29] =	ssyncadd.s32 $0xFFFFFFFF  }
0xb6: {  	_ =	strace $0x9000004E  }
0xb7: {  	_ =	sfence  }
0xb8: {  	s30 =	sld [smem:$0x0];
	_ =	sdelay $0x2  }
0xb9: {  	s31 =	sshll.u32 s1, $0xD;
	s1 =	sshrl.u32 s1, $0x2  }
0xba: {  	s3 =	sand.u32 $0x4000, s31;
	s1 =	sadd.s32 s1, s30  }
0xbb: {  	s0 =	sor.u32 s3, s0;
	s1 =	sshll.u32 s1, $0x11  }
0xbc: {  	s0 =	sor.u32 s1, s0  }
0xbd: {  	s0 =	sadd.s32 $0x8F2B, s0  }
0xbe: {  	[sflag:s0] =	ssyncadd.remote.s32 $0x1  }
0xbf: {  	_ =	sfence.sel $0xFFFF  }
0xc0: {  	[dreg:$0x0] =	wrdreg $0xFFFFFFFF;
	(pc) =	sbr.abs _section_cstart, $3  }
0xc1: {  	[dreg:$0x1] =	wrdreg $0xFFFFFFFF  }
0xc2: {  	_ =	task.clear_ibuf [dreg:s7], $0x2FFFF;
	_ =	strace $0x9FFFFFFF  }
0xc3: {  	(tm) =	ssettm $0x7FFFFFFF  }
tec
execute0_lowered:
.L_overlay_start_1:
0x0: {  	(tag) =	ssettag $0x1  }
0x1: {  	s6 =	rddreg [dreg:$0x0]  }
0x2: {  	s8 =	rddreg [dreg:$0x1]  }
0x3: {  	s2 =	rddreg [dreg:$0x2]  }
0x4: {  	s0 =	rddreg [dreg:$0x3];
	s3 =	srdreg.scid  }
0x5: {  	s1 =	stileid.u32;
	s14 =	simm.s32 $0x80;
	s15 =	simm.s32 $0x5000  }
0x6: {  	s16 =	simm.s32 $0x1;
	s17 =	simm.s32 $0x0;
	s5 =	sand.u32 $0x1, s3  }
0x7: {  	s4 =	sshll.u32 s1, $0x1;
	s7 =	smul.u32 $0x14000, s1;
	s3 =	simm.s32 $0x0  }
0x8: {  	s31 =	sshll.u32 s1, $0x6;
	s4 =	sor.u32 s5, s4;
	s9 =	smul.u32 $0x140000, s5  }
0x9: {  	[smem:$0x7FF] =	sst s3;
	s12 =	ssub.s32 $0x2, s5;
	s5 =	sadd.s32 $0x36200, s6  }
0xa: {  	s10 =	smul.u32 $0x500, s4;
	_ =	strace $0x8000004D;
	s4 =	sadd.s32 $0xE200, s6  }
0xb: {  	s30 =	sshrl.u32 s12, $0x1;
	s13 =	sadd.s32 s7, s2;
	s9 =	sadd.s32 s7, s9  }
0xc: {  	s12 =	ssub.s32 s12, s30;
	s11 =	sadd.s32 s10, s6;
	s9 =	sshrl.u32 s9, $0x3  }
0xd: {  	s8 =	sadd.s32 s8, s10;
	s10 =	smax.u32 s12, $0x1;
	s12 =	simm.s32 $0x2  }
0xe: {  	s9 =	sadd.s32 s9, s6;
	s6 =	sor.u32 $0x1C02, s31;
	s7 =	sadd.s32 $0x4200, s11  }
0xf: {  	s11 =	sshrl.u32 s13, $0x3;
	s13 =	simm.s32 $0x2800;
	s9 =	sadd.s32 $0x38A00, s9  }
.LBB2_1:
0x10: {  	[spmem:s11], [sflag:s6] =	dma.local [hbm:s5], $0x2800  }
0x11: {  	_ =	swait.ge [sflag:s12], $0x2800  }
0x12: {  	[sflag:s12] =	ssyncset.done $0x0  }
0x13: {  	[sflag:s12] =	ssyncadd.s32 $0xFFFFD800  }
0x14: {  	[bflag:$0x0] =	sbarrier.arrive $0xFFFF  }
0x15: {  	[tilespmem:s3], [sflag:$0x2] =	stream.linear.gather [hbm4b:s7+s3], $0x2800, $0x38;
	[tilespmem:$0x1D000] =	vst v63  }
0x16: {  	_ =	swait.ge [sflag:s12], $0x2800  }
0x17: {  	[sflag:s12] =	ssyncset.done $0x0  }
0x18: {  	[sflag:s12] =	ssyncadd.s32 $0xFFFFD800  }
0x19: {  	[tilespmem:s13], [sflag:$0x2] =	stream.linear.gather [hbm4b:s8+s3], $0x2800, $0x38;
	[tilespmem:$0x1D000] =	vst v63  }
0x1a: {  	_ =	swait.ge [sflag:s12], $0x2800  }
0x1b: {  	[sflag:s12] =	ssyncset.done $0x0  }
0x1c: {  	s18 =	simm.s32 $0x0;
	[sflag:s12] =	ssyncadd.s32 $0xFFFFD800  }
0x1d: {  	[tilespmem:s15], [sflag:$0x1] =	stream.indirect.gather [hbm4b:s4+s14], $0x80, s18, s14, $0xb8;
	[tilespmem:$0x1D000] =	vst v63  }
0x1e: {  	_ =	swait.ge [sflag:s16], $0x4000  }
0x1f: {  	[sflag:s16] =	ssyncset.done $0x0  }
0x20: {  	s31 =	simm.s32 $0x2800;
	[sflag:s16] =	ssyncadd.s32 $0xFFFFC000  }
0x21: {  	[spmem:s2] =	stream.indirect.scatter.add.f32 [tilespmem:s15], [sflag:$0x2], $0x80, s31, s14, $0xb8;
	[tilespmem:$0x1D000] =	vst v63  }
0x22: {  	_ =	swait.ge [sflag:s12], $0x4000  }
0x23: {  	s19 =	simm.s32 $0x400;
	s18 =	simm.s32 $0x200;
	[sflag:s12] =	ssyncset.done $0x0  }
.LBB2_2:
0x24: {  	s20 =	sshra.s32 s18, $0x2  }
0x25: {  	[sflag:s12] =	ssyncadd.s32 $0xFFFFC000;
	s18 =	smov.u32 s19;
	s21 =	sadd.s32 $0x200, s19  }
0x26: {  	[tilespmem:s15], [sflag:$0x1] =	stream.indirect.gather [hbm4b:s4+s14], $0x80, s20, s14, $0xb8;
	[tilespmem:$0x1D000] =	vst v63  }
0x27: {  	p0 =	sne.s32 s19, $0x9E00;
	_ =	swait.ge [sflag:s16], $0x4000  }
.Ltmp0:
0x28: {  	[sflag:s16] =	ssyncset.done $0x0;
	(pc) =	sbr.rel @p0 .LBB2_2-.Ltmp0, $4  }
0x29: {  	s19 =	sadd.s32 $0x2800, s20;
	[sflag:s16] =	ssyncadd.s32 $0xFFFFC000  }
0x2a: {  	[spmem:s2] =	stream.indirect.scatter.add.f32 [tilespmem:s15], [sflag:$0x2], $0x80, s19, s14, $0xb8;
	[tilespmem:$0x1D000] =	vst v63  }
0x2b: {  	_ =	swait.ge [sflag:s12], $0x4000  }
0x2c: {  	s19 =	smov.u32 s21;
	[sflag:s12] =	ssyncset.done $0x0  }
0x2d: {  	s18 =	sshra.s32 s18, $0x2;
	[sflag:s12] =	ssyncadd.s32 $0xFFFFC000  }
0x2e: {  	[tilespmem:s15], [sflag:$0x1] =	stream.indirect.gather [hbm4b:s4+s14], $0x80, s18, s14, $0xb8;
	[tilespmem:$0x1D000] =	vst v63  }
0x2f: {  	_ =	swait.ge [sflag:s16], $0x4000  }
0x30: {  	[sflag:s16] =	ssyncset.done $0x0  }
0x31: {  	s18 =	sadd.s32 $0x2800, s18;
	[sflag:s16] =	ssyncadd.s32 $0xFFFFC000  }
0x32: {  	[spmem:s2] =	stream.indirect.scatter.add.f32 [tilespmem:s15], [sflag:$0x2], $0x80, s18, s14, $0xb8;
	[tilespmem:$0x1D000] =	vst v63  }
0x33: {  	_ =	swait.ge [sflag:s12], $0x4000  }
0x34: {  	s17 =	sadd.s32 $0x1, s17;
	[sflag:s12] =	ssyncset.done $0x0  }
0x35: {  	p0 =	sne.s32 s17, s10;
	[sflag:s12] =	ssyncadd.s32 $0xFFFFC000  }
.Ltmp1:
0x36: {  	[bflag:$0x0] =	sbarrier.arrive $0xFFFF;
	(pc) =	sbr.rel @p0 .LBB2_1-.Ltmp1, $4  }
0x37: {  	[hbm:s9], [sflag:s6] =	dma.local [spmem:s11], $0x2800  }
0x38: {  	_ =	swait.ge [sflag:s12], $0x2800  }
0x39: {  	[sflag:s12] =	ssyncset.done $0x0  }
0x3a: {  	[sflag:s12] =	ssyncadd.s32 $0xFFFFD800  }
0x3b: {  	_ =	sfence.sel $0x180000  }
0x3c: {  	[bflag:$0x0] =	sbarrier.arrive $0xFFFF  }
0x3d: {  	p0 =	sne.s32 s1, $0x0;
	_ =	strace $0x9000004D  }
0x3e: {  	s0 =	sadd.s32 @!p0 $0x100000, s0;
	[bflag:$0x2] =	sbarrier.arrive $0xFFFF  }
0x3f: {  	[sflag:s0] =	ssyncadd.tile.s32 @!p0 $0x1;
	_ =	shalt  }
.Lfunc_end2:
_tile_overlayer_lowered:
.L_overlay_start_2:
0x40: {  	(tag) =	ssettag $0x2  }
0x41: {  	s0 =	rddreg [dreg:$0x0];
	s2 =	stileid.u32  }
0x42: {  	s1 =	rddreg [dreg:$0x1];
	p0 =	sne.s32 s2, $0x0  }
0x43: {  	s3 =	rddreg [dreg:$0x2];
	[bflag:$0x3] =	sbarrier.arrive $0xFFFF;
	s2 =	simm.s32 @!p0 $0x1C02  }
0x44: {  	[timem:s3], [sflag:s2] =	dma.local @!p0 [hbm:s0], s1  }
0x45: {  	s0 =	simm.s32 @!p0 $0x2  }
0x46: {  	_ =	swait.ge @!p0 [sflag:s0], s1  }
0x47: {  	s1 =	ssub.s32 @!p0 $0x0, s1;
	[sflag:s0] =	ssyncset.done @!p0 $0x0  }
0x48: {  	[sflag:s0] =	ssyncadd.s32 @!p0 s1  }
0x49: {  	[bflag:$0x3] =	sbarrier.arrive $0xFFFF  }
0x4a: {  	_ =	shalt  }

// kernel: kernel.21.cloned.1.call-start
scs
__scs_entry_jumppad:
0x0: {  	(pc) =	sbr.rel $0x88, $3  }
0x1: {  	(tag) =	ssettag $0x0;
	lr =	simm.s32 $0x1  }
0x2: {  	[smem:$0x3F93] =	sst lr;
	_ =	strace $0xD0000000  }
0x3: {  	_ = 	snop  }
0x4: {  	_ = 	snop  }
0x5: {  	_ = 	snop  }
0x6: {  	_ = 	snop  }
0x7: {  	_ = 	snop  }
__scs_overlays_trampoline_lowered:
0x8: {  	[smem:$0x3FA2] =	sst s0  }
0x9: {  	[smem:$0x3FA3] =	sst s1  }
0xa: {  	[smem:$0x3FA4] =	sst s2  }
0xb: {  	[smem:$0x3FA5] =	sst s3  }
0xc: {  	[smem:$0x3FA6] =	sst s4  }
0xd: {  	[smem:$0x3FA7] =	sst s5  }
0xe: {  	[smem:$0x3FA8] =	sst s6  }
0xf: {  	[smem:$0x3FA9] =	sst s7  }
0x10: {  	[smem:$0x3FAA] =	sst s8  }
0x11: {  	[smem:$0x3FAB] =	sst s9;
	s0 =	simm.s32 @!p0 $0x0  }
0x12: {  	s1 =	sld [smem:$0x3F91];
	s0 =	simm.s32 @p0 $0x1  }
0x13: {  	[smem:$0x3FAC] =	sst s0;
	s0 =	simm.s32 @!p1 $0x0  }
0x14: {  	s2 =	sld [smem:$0x3F90];
	s0 =	simm.s32 @p1 $0x1  }
0x15: {  	[smem:$0x3FAD] =	sst s0;
	s0 =	simm.s32 @!p2 $0x0  }
0x16: {  	s3 =	sld [smem:$0x3FDB];
	s0 =	simm.s32 @p2 $0x1  }
0x17: {  	s4 =	simm.s32 $0x1BF5;
	[smem:$0x3FAF] =	sst s0  }
0x18: {  	s0 =	sld [smem:$0x3F92];
	_ =	swait.ge [sflag:s4], $0x0  }
0x19: {  	s7 =	sld [smem:$0x3F93]  }
0x1a: {  	s8 =	sadd.s32 $0xFFFFE003, lr  }
0x1b: {  	s9 =	sadd.s32 $0xFFFFFEF7, lr;
	s5 =	simm.s32 $0xFFFFFFFF;
	p2 =	slt.u32 s8, $0xFFFFF086  }
0x1c: {  	p1 =	slt.u32 s9, $0xF7A;
	s5 =	simm.s32 @!p2 $0x0  }
0x1d: {  	s5 =	simm.s32 @p1 $0x1;
	p0 =	seq.s32 s7, s2  }
0x1e: {  	s7 =	smul.u32 @!p0 $0xF7A, s2;
	p2 =	seq.s32 @!p0 s5, $0x0  }
0x1f: {  	s9 =	smul.u32 $0xF7A, s1;
	s8 =	simm.s32 @!p0 $0x1BF5;
	p2 =	por !p2, p0  }
0x20: {  	[sflag:s8] =	ssyncset.s32 @!p0 $0xFFFFF086;
	s6 =	sadd.s32 @!p0 s3, s7;
	s7 =	simm.s32 @!p0 $0x108  }
0x21: {  	s3 =	sadd.s32 s3, s9;
	s6 =	sadd.s32 @!p0 $0x88, s6;
	s7 =	simm.s32 @p2 $0x1082  }
0x22: {  	[simem:s7], [sflag:s8] =	dma.local @!p0 [hbm:s6], $0xF7A  }
0x23: {  	s9 =	sor.u32 $0xD0000000, s2;
	s6 =	simm.s32 $0x108;
	_ =	swait.ge @!p0 [sflag:s8], $0x0  }
0x24: {  	s3 =	sadd.s32 $0x88, s3;
	s6 =	simm.s32 @!p1 $0x1082;
	[sflag:s4] =	ssyncset.s32 $0xFFFFF086  }
0x25: {  	[simem:s6], [sflag:s4] =	dma.local [hbm:s3], $0xF7A  }
0x26: {  	[smem:$0x3F93] =	sst s1;
	(tag) =	ssettag s2;
	_ =	strace s9  }
0x27: {  	s1 =	sld [smem:$0x3FA3]  }
0x28: {  	s2 =	sld [smem:$0x3FA4]  }
0x29: {  	s4 =	sld [smem:$0x3FA6]  }
0x2a: {  	p0 =	seq.s32 s5, $0x0;
	s5 =	sld [smem:$0x3FA7]  }
0x2b: {  	s6 =	sld [smem:$0x3FA8]  }
0x2c: {  	s7 =	sld [smem:$0x3FA9]  }
0x2d: {  	s3 =	simm.s32 $0x108;
	s8 =	sld [smem:$0x3FAA]  }
0x2e: {  	s3 =	simm.s32 @!p0 $0x1082;
	s9 =	sld [smem:$0x3FAB]  }
0x2f: {  	lr =	sadd.s32 s0, s3;
	s0 =	sld [smem:$0x3FA2]  }
0x30: {  	s3 =	sld [smem:$0x3FA5]  }
0x31: {  	[smem:$0x3FAE] =	sst s10  }
0x32: {  	s10 =	sld [smem:$0x3FAC];
	_ =	sdelay $0x3  }
0x33: {  	p0 =	seq.s32 s10, $0x1;
	s10 =	sld [smem:$0x3FAE];
	_ =	sdelay $0x3  }
0x34: {  	[smem:$0x3FAE] =	sst s10  }
0x35: {  	s10 =	sld [smem:$0x3FAD];
	_ =	sdelay $0x3  }
0x36: {  	p1 =	seq.s32 s10, $0x1;
	s10 =	sld [smem:$0x3FAE];
	_ =	sdelay $0x3  }
0x37: {  	[smem:$0x3FAE] =	sst s10  }
0x38: {  	s10 =	sld [smem:$0x3FAF]  }
0x39: {  	_ = 	snop;
	(pc) =	sbr.ind lr, $3  }
0x3a: {  	_ = 	snop  }
0x3b: {  	_ = 	snop  }
0x3c: {  	p2 =	seq.s32 s10, $0x1;
	s10 =	sld [smem:$0x3FAE]  }
0x3d: {  	_ =	shalt  }
0x3e: {  	_ =	shalt  }
0x3f: {  	_ =	shalt  }
0x40: {  	_ =	shalt  }
0x41: {  	_ =	shalt  }
0x42: {  	_ =	shalt  }
0x43: {  	_ =	shalt  }
0x44: {  	_ =	shalt  }
0x45: {  	_ =	shalt  }
0x46: {  	_ =	shalt  }
0x47: {  	_ =	shalt  }
0x48: {  	_ =	shalt  }
0x49: {  	_ =	shalt  }
0x4a: {  	_ =	shalt  }
0x4b: {  	_ =	shalt  }
0x4c: {  	_ =	shalt  }
0x4d: {  	_ =	shalt  }
0x4e: {  	_ =	shalt  }
0x4f: {  	_ =	shalt  }
0x50: {  	_ =	shalt  }
0x51: {  	_ =	shalt  }
0x52: {  	_ =	shalt  }
0x53: {  	_ =	shalt  }
0x54: {  	_ =	shalt  }
0x55: {  	_ =	shalt  }
0x56: {  	_ =	shalt  }
0x57: {  	_ =	shalt  }
0x58: {  	_ =	shalt  }
0x59: {  	_ =	shalt  }
0x5a: {  	_ =	shalt  }
0x5b: {  	_ =	shalt  }
0x5c: {  	_ =	shalt  }
0x5d: {  	_ =	shalt  }
0x5e: {  	_ =	shalt  }
0x5f: {  	_ =	shalt  }
0x60: {  	_ =	shalt  }
0x61: {  	_ =	shalt  }
0x62: {  	_ =	shalt  }
0x63: {  	_ =	shalt  }
0x64: {  	_ =	shalt  }
0x65: {  	_ =	shalt  }
0x66: {  	_ =	shalt  }
0x67: {  	_ =	shalt  }
0x68: {  	_ =	shalt  }
0x69: {  	_ =	shalt  }
0x6a: {  	_ =	shalt  }
0x6b: {  	_ =	shalt  }
0x6c: {  	_ =	shalt  }
0x6d: {  	_ =	shalt  }
0x6e: {  	_ =	shalt  }
0x6f: {  	_ =	shalt  }
0x70: {  	_ =	shalt  }
0x71: {  	_ =	shalt  }
0x72: {  	_ =	shalt  }
0x73: {  	_ =	shalt  }
0x74: {  	_ =	shalt  }
0x75: {  	_ =	shalt  }
0x76: {  	_ =	shalt  }
0x77: {  	_ =	shalt  }
0x78: {  	_ =	shalt  }
0x79: {  	_ =	shalt  }
0x7a: {  	_ =	shalt  }
0x7b: {  	_ =	shalt  }
0x7c: {  	_ =	shalt  }
0x7d: {  	_ =	shalt  }
0x7e: {  	_ =	shalt  }
0x7f: {  	_ =	shalt  }
0x80: {  	_ =	shalt  }
0x81: {  	_ =	shalt  }
0x82: {  	_ =	shalt  }
0x83: {  	_ =	shalt  }
0x84: {  	_ =	shalt  }
0x85: {  	_ =	shalt  }
0x86: {  	_ =	shalt  }
0x87: {  	_ =	shalt  }
.Lfunc_end0:
.L_simem_size_0:
called_computation.3_lowered:
.L_overlay_start_0:
0x88: {  	s2 =	sld [smem:$0x3FD9]  }
0x89: {  	s3 =	sld [smem:$0x3FFE];
	_ =	sdelay $0x1  }
0x8a: {  	s1 =	srdreg.scid  }
0x8b: {  	s0 =	sand.u32 $0x1, s1  }
0x8c: {  	s17 =	sshll.u32 s0, $0xA;
	s2 =	sadd.s32 s3, s2  }
0x8d: {  	s2 =	sadd.s32 s2, s17  }
0x8e: {  	[smem:$0x3FBA] =	sst s2  }
0x8f: {  	_ = 	snop  }
0x90: {  	s2 =	sld [smem:$0x3FD0];
	(tm) =	ssettm $0x1  }
0x91: {  	s18 =	sld [smem:$0x3FFB];
	_ =	sdelay $0x3  }
0x92: {  	_ =	strace s18  }
0x93: {  	s3 =	sld [smem:$0x3FFC];
	_ =	sdelay $0x3  }
0x94: {  	_ =	strace s3  }
0x95: {  	s3 =	sld [smem:$0x3FFD];
	_ =	sdelay $0x3  }
0x96: {  	_ =	strace s3  }
0x97: {  	_ =	strace $0x8FFFFFFF  }
0x98: {  	s19 =	sld [smem:$0x3FDB];
	_ =	sdelay $0x1  }
0x99: {  	s4 =	simm.s32 $_scs_section_size  }
0x9a: {  	s5 =	simm.s32 $_size__tile_overlayer_lowered;
	s6 =	simm.s32 $_tile_overlayer_lowered  }
0x9b: {  	s22 =	simm.s32 $0x1BFF;
	s21 =	sshll.u32 s6, $0x1;
	s3 =	sadd.s32 s4, s19  }
0x9c: {  	s7 =	simm.s32 $0x0;
	s20 =	sshll.u32 s5, $0x1;
	s5 =	sadd.s32 s21, s3  }
0x9d: {  	[timem:s7], [sflag:s22] =	dma.local [hbm:s5], s20  }
0x9e: {  	_ =	swait.ge [sflag:s22], s20  }
0x9f: {  	s4 =	ssub.s32 $0x0, s20;
	[sflag:s22] =	ssyncset.done $0x0  }
0xa0: {  	[sflag:s22] =	ssyncadd.s32 s4;
	_ =	sdelay $0x1  }
0xa1: {  	s23 =	simm.s32 $0x1B8B  }
0xa2: {  	_ =	swait.ge [sflag:s23], $0x1  }
0xa3: {  	[sflag:s23] =	ssyncset.done $0x0  }
0xa4: {  	s25 =	simm.s32 $0x1B8E;
	s24 =	sld [smem:$0x3FFE];
	[sflag:s23] =	ssyncadd.s32 $0xFFFFFFFF  }
0xa5: {  	s26 =	simm.s32 $execute0_lowered;
	[smem:$0x3FD2] =	sst s25  }
0xa6: {  	s5 =	sshll.u32 s26, $0x1;
	_ =	strace $0x8000004F;
	[dreg:$0x1] =	wrdreg $0xFFFFFFFF  }
0xa7: {  	s28 =	simm.s32 $_size_execute0_lowered;
	s3 =	sadd.s32 s3, s5;
	[dreg:$0x0] =	wrdreg $0x0  }
0xa8: {  	s5 =	sshll.u32 s28, $0x1;
	[dreg:$0x2] =	wrdreg s3  }
0xa9: {  	[dreg:$0x3] =	wrdreg s5  }
0xaa: {  	[dreg:$0x4] =	wrdreg $0xC0  }
0xab: {  	_ =	task [dreg:s7], $0x5FFFF  }
0xac: {  	[dreg:$0x1] =	wrdreg $0xFFFFFFFF  }
0xad: {  	[dreg:$0x0] =	wrdreg $0x60  }
0xae: {  	[dreg:$0x2] =	wrdreg s24  }
0xaf: {  	[dreg:$0x3] =	wrdreg s2  }
0xb0: {  	[dreg:$0x4] =	wrdreg $0x90000  }
0xb1: {  	[dreg:$0x5] =	wrdreg $0x9  }
0xb2: {  	_ =	task.clear_ibuf [dreg:s7], $0x6FFFF;
	_ =	strace $0x9000004F  }
0xb3: {  	s29 =	simm.s32 $0x9;
	_ =	strace $0x80000051  }
0xb4: {  	_ =	swait.ge [sflag:s29], $0x1  }
0xb5: {  	[sflag:s29] =	ssyncadd.s32 $0xFFFFFFFF  }
0xb6: {  	_ =	strace $0x90000051  }
0xb7: {  	_ =	sfence  }
0xb8: {  	s30 =	sld [smem:$0x0];
	_ =	sdelay $0x2  }
0xb9: {  	s31 =	sshll.u32 s1, $0xD;
	s1 =	sshrl.u32 s1, $0x2  }
0xba: {  	s3 =	sand.u32 $0x4000, s31;
	s1 =	sadd.s32 s1, s30  }
0xbb: {  	s0 =	sor.u32 s3, s0;
	s1 =	sshll.u32 s1, $0x11  }
0xbc: {  	s0 =	sor.u32 s1, s0  }
0xbd: {  	s0 =	sadd.s32 $0x8F2B, s0  }
0xbe: {  	[sflag:s0] =	ssyncadd.remote.s32 $0x1  }
0xbf: {  	_ =	sfence.sel $0xFFFF  }
0xc0: {  	[dreg:$0x0] =	wrdreg $0xFFFFFFFF;
	(pc) =	sbr.abs _section_cstart, $3  }
0xc1: {  	[dreg:$0x1] =	wrdreg $0xFFFFFFFF  }
0xc2: {  	_ =	task.clear_ibuf [dreg:s7], $0x2FFFF;
	_ =	strace $0x9FFFFFFF  }
0xc3: {  	(tm) =	ssettm $0x7FFFFFFF  }
tec
execute0_lowered:
.L_overlay_start_1:
0x0: {  	(tag) =	ssettag $0x1  }
0x1: {  	s6 =	rddreg [dreg:$0x0]  }
0x2: {  	s8 =	rddreg [dreg:$0x1]  }
0x3: {  	s2 =	rddreg [dreg:$0x2]  }
0x4: {  	s0 =	rddreg [dreg:$0x3];
	s3 =	srdreg.scid  }
0x5: {  	s1 =	stileid.u32;
	s14 =	simm.s32 $0x80;
	s15 =	simm.s32 $0x5000  }
0x6: {  	s16 =	simm.s32 $0x1;
	s17 =	simm.s32 $0x0;
	s5 =	sand.u32 $0x1, s3  }
0x7: {  	s4 =	sshll.u32 s1, $0x1;
	s7 =	smul.u32 $0x14000, s1;
	s3 =	simm.s32 $0x0  }
0x8: {  	s31 =	sshll.u32 s1, $0x6;
	s4 =	sor.u32 s5, s4;
	s9 =	smul.u32 $0x140000, s5  }
0x9: {  	[smem:$0x7FF] =	sst s3;
	s12 =	ssub.s32 $0x2, s5;
	s5 =	sadd.s32 $0x36200, s6  }
0xa: {  	s10 =	smul.u32 $0x500, s4;
	_ =	strace $0x80000050;
	s4 =	sadd.s32 $0xE200, s6  }
0xb: {  	s30 =	sshrl.u32 s12, $0x1;
	s13 =	sadd.s32 s7, s2;
	s9 =	sadd.s32 s7, s9  }
0xc: {  	s12 =	ssub.s32 s12, s30;
	s11 =	sadd.s32 s10, s6;
	s9 =	sshrl.u32 s9, $0x3  }
0xd: {  	s8 =	sadd.s32 s8, s10;
	s10 =	smax.u32 s12, $0x1;
	s12 =	simm.s32 $0x2  }
0xe: {  	s9 =	sadd.s32 s9, s6;
	s6 =	sor.u32 $0x1C02, s31;
	s7 =	sadd.s32 $0x4200, s11  }
0xf: {  	s11 =	sshrl.u32 s13, $0x3;
	s13 =	simm.s32 $0x2800;
	s9 =	sadd.s32 $0x38A00, s9  }
.LBB2_1:
0x10: {  	[spmem:s11], [sflag:s6] =	dma.local [hbm:s5], $0x2800  }
0x11: {  	_ =	swait.ge [sflag:s12], $0x2800  }
0x12: {  	[sflag:s12] =	ssyncset.done $0x0  }
0x13: {  	[sflag:s12] =	ssyncadd.s32 $0xFFFFD800  }
0x14: {  	[bflag:$0x0] =	sbarrier.arrive $0xFFFF  }
0x15: {  	[tilespmem:s3], [sflag:$0x2] =	stream.linear.gather [hbm4b:s7+s3], $0x2800, $0x38;
	[tilespmem:$0x1D000] =	vst v63  }
0x16: {  	_ =	swait.ge [sflag:s12], $0x2800  }
0x17: {  	[sflag:s12] =	ssyncset.done $0x0  }
0x18: {  	[sflag:s12] =	ssyncadd.s32 $0xFFFFD800  }
0x19: {  	[tilespmem:s13], [sflag:$0x2] =	stream.linear.gather [hbm4b:s8+s3], $0x2800, $0x38;
	[tilespmem:$0x1D000] =	vst v63  }
0x1a: {  	_ =	swait.ge [sflag:s12], $0x2800  }
0x1b: {  	[sflag:s12] =	ssyncset.done $0x0  }
0x1c: {  	s18 =	simm.s32 $0x0;
	[sflag:s12] =	ssyncadd.s32 $0xFFFFD800  }
0x1d: {  	[tilespmem:s15], [sflag:$0x1] =	stream.indirect.gather [hbm4b:s4+s14], $0x80, s18, s14, $0xb8;
	[tilespmem:$0x1D000] =	vst v63  }
0x1e: {  	_ =	swait.ge [sflag:s16], $0x4000  }
0x1f: {  	[sflag:s16] =	ssyncset.done $0x0  }
0x20: {  	s31 =	simm.s32 $0x2800;
	[sflag:s16] =	ssyncadd.s32 $0xFFFFC000  }
0x21: {  	[spmem:s2] =	stream.indirect.scatter.add.f32 [tilespmem:s15], [sflag:$0x2], $0x80, s31, s14, $0xb8;
	[tilespmem:$0x1D000] =	vst v63  }
0x22: {  	_ =	swait.ge [sflag:s12], $0x4000  }
0x23: {  	s19 =	simm.s32 $0x400;
	s18 =	simm.s32 $0x200;
	[sflag:s12] =	ssyncset.done $0x0  }
.LBB2_2:
0x24: {  	s20 =	sshra.s32 s18, $0x2  }
0x25: {  	[sflag:s12] =	ssyncadd.s32 $0xFFFFC000;
	s18 =	smov.u32 s19;
	s21 =	sadd.s32 $0x200, s19  }
0x26: {  	[tilespmem:s15], [sflag:$0x1] =	stream.indirect.gather [hbm4b:s4+s14], $0x80, s20, s14, $0xb8;
	[tilespmem:$0x1D000] =	vst v63  }
0x27: {  	p0 =	sne.s32 s19, $0x9E00;
	_ =	swait.ge [sflag:s16], $0x4000  }
.Ltmp0:
0x28: {  	[sflag:s16] =	ssyncset.done $0x0;
	(pc) =	sbr.rel @p0 .LBB2_2-.Ltmp0, $4  }
0x29: {  	s19 =	sadd.s32 $0x2800, s20;
	[sflag:s16] =	ssyncadd.s32 $0xFFFFC000  }
0x2a: {  	[spmem:s2] =	stream.indirect.scatter.add.f32 [tilespmem:s15], [sflag:$0x2], $0x80, s19, s14, $0xb8;
	[tilespmem:$0x1D000] =	vst v63  }
0x2b: {  	_ =	swait.ge [sflag:s12], $0x4000  }
0x2c: {  	s19 =	smov.u32 s21;
	[sflag:s12] =	ssyncset.done $0x0  }
0x2d: {  	s18 =	sshra.s32 s18, $0x2;
	[sflag:s12] =	ssyncadd.s32 $0xFFFFC000  }
0x2e: {  	[tilespmem:s15], [sflag:$0x1] =	stream.indirect.gather [hbm4b:s4+s14], $0x80, s18, s14, $0xb8;
	[tilespmem:$0x1D000] =	vst v63  }
0x2f: {  	_ =	swait.ge [sflag:s16], $0x4000  }
0x30: {  	[sflag:s16] =	ssyncset.done $0x0  }
0x31: {  	s18 =	sadd.s32 $0x2800, s18;
	[sflag:s16] =	ssyncadd.s32 $0xFFFFC000  }
0x32: {  	[spmem:s2] =	stream.indirect.scatter.add.f32 [tilespmem:s15], [sflag:$0x2], $0x80, s18, s14, $0xb8;
	[tilespmem:$0x1D000] =	vst v63  }
0x33: {  	_ =	swait.ge [sflag:s12], $0x4000  }
0x34: {  	s17 =	sadd.s32 $0x1, s17;
	[sflag:s12] =	ssyncset.done $0x0  }
0x35: {  	p0 =	sne.s32 s17, s10;
	[sflag:s12] =	ssyncadd.s32 $0xFFFFC000  }
.Ltmp1:
0x36: {  	[bflag:$0x0] =	sbarrier.arrive $0xFFFF;
	(pc) =	sbr.rel @p0 .LBB2_1-.Ltmp1, $4  }
0x37: {  	[hbm:s9], [sflag:s6] =	dma.local [spmem:s11], $0x2800  }
0x38: {  	_ =	swait.ge [sflag:s12], $0x2800  }
0x39: {  	[sflag:s12] =	ssyncset.done $0x0  }
0x3a: {  	[sflag:s12] =	ssyncadd.s32 $0xFFFFD800  }
0x3b: {  	_ =	sfence.sel $0x180000  }
0x3c: {  	[bflag:$0x0] =	sbarrier.arrive $0xFFFF  }
0x3d: {  	p0 =	sne.s32 s1, $0x0;
	_ =	strace $0x90000050  }
0x3e: {  	s0 =	sadd.s32 @!p0 $0x100000, s0;
	[bflag:$0x2] =	sbarrier.arrive $0xFFFF  }
0x3f: {  	[sflag:s0] =	ssyncadd.tile.s32 @!p0 $0x1;
	_ =	shalt  }
.Lfunc_end2:
_tile_overlayer_lowered:
.L_overlay_start_2:
0x40: {  	(tag) =	ssettag $0x2  }
0x41: {  	s0 =	rddreg [dreg:$0x0];
	s2 =	stileid.u32  }
0x42: {  	s1 =	rddreg [dreg:$0x1];
	p0 =	sne.s32 s2, $0x0  }
0x43: {  	s3 =	rddreg [dreg:$0x2];
	[bflag:$0x3] =	sbarrier.arrive $0xFFFF;
	s2 =	simm.s32 @!p0 $0x1C02  }
0x44: {  	[timem:s3], [sflag:s2] =	dma.local @!p0 [hbm:s0], s1  }
0x45: {  	s0 =	simm.s32 @!p0 $0x2  }
0x46: {  	_ =	swait.ge @!p0 [sflag:s0], s1  }
0x47: {  	s1 =	ssub.s32 @!p0 $0x0, s1;
	[sflag:s0] =	ssyncset.done @!p0 $0x0  }
0x48: {  	[sflag:s0] =	ssyncadd.s32 @!p0 s1  }
0x49: {  	[bflag:$0x3] =	sbarrier.arrive $0xFFFF  }
0x4a: {  	_ =	shalt  }

// kernel: kernel.24.cloned.1.call-start
scs
__scs_entry_jumppad:
0x0: {  	(pc) =	sbr.rel $0x88, $3  }
0x1: {  	(tag) =	ssettag $0x0;
	lr =	simm.s32 $0x1  }
0x2: {  	[smem:$0x3F93] =	sst lr;
	_ =	strace $0xD0000000  }
0x3: {  	_ = 	snop  }
0x4: {  	_ = 	snop  }
0x5: {  	_ = 	snop  }
0x6: {  	_ = 	snop  }
0x7: {  	_ = 	snop  }
__scs_overlays_trampoline_lowered:
0x8: {  	[smem:$0x3FA2] =	sst s0  }
0x9: {  	[smem:$0x3FA3] =	sst s1  }
0xa: {  	[smem:$0x3FA4] =	sst s2  }
0xb: {  	[smem:$0x3FA5] =	sst s3  }
0xc: {  	[smem:$0x3FA6] =	sst s4  }
0xd: {  	[smem:$0x3FA7] =	sst s5  }
0xe: {  	[smem:$0x3FA8] =	sst s6  }
0xf: {  	[smem:$0x3FA9] =	sst s7  }
0x10: {  	[smem:$0x3FAA] =	sst s8  }
0x11: {  	[smem:$0x3FAB] =	sst s9;
	s0 =	simm.s32 @!p0 $0x0  }
0x12: {  	s1 =	sld [smem:$0x3F91];
	s0 =	simm.s32 @p0 $0x1  }
0x13: {  	[smem:$0x3FAC] =	sst s0;
	s0 =	simm.s32 @!p1 $0x0  }
0x14: {  	s2 =	sld [smem:$0x3F90];
	s0 =	simm.s32 @p1 $0x1  }
0x15: {  	[smem:$0x3FAD] =	sst s0;
	s0 =	simm.s32 @!p2 $0x0  }
0x16: {  	s3 =	sld [smem:$0x3FDB];
	s0 =	simm.s32 @p2 $0x1  }
0x17: {  	s4 =	simm.s32 $0x1BF5;
	[smem:$0x3FAF] =	sst s0  }
0x18: {  	s0 =	sld [smem:$0x3F92];
	_ =	swait.ge [sflag:s4], $0x0  }
0x19: {  	s7 =	sld [smem:$0x3F93]  }
0x1a: {  	s8 =	sadd.s32 $0xFFFFE003, lr  }
0x1b: {  	s9 =	sadd.s32 $0xFFFFFEF7, lr;
	s5 =	simm.s32 $0xFFFFFFFF;
	p2 =	slt.u32 s8, $0xFFFFF086  }
0x1c: {  	p1 =	slt.u32 s9, $0xF7A;
	s5 =	simm.s32 @!p2 $0x0  }
0x1d: {  	s5 =	simm.s32 @p1 $0x1;
	p0 =	seq.s32 s7, s2  }
0x1e: {  	s7 =	smul.u32 @!p0 $0xF7A, s2;
	p2 =	seq.s32 @!p0 s5, $0x0  }
0x1f: {  	s9 =	smul.u32 $0xF7A, s1;
	s8 =	simm.s32 @!p0 $0x1BF5;
	p2 =	por !p2, p0  }
0x20: {  	[sflag:s8] =	ssyncset.s32 @!p0 $0xFFFFF086;
	s6 =	sadd.s32 @!p0 s3, s7;
	s7 =	simm.s32 @!p0 $0x108  }
0x21: {  	s3 =	sadd.s32 s3, s9;
	s6 =	sadd.s32 @!p0 $0x88, s6;
	s7 =	simm.s32 @p2 $0x1082  }
0x22: {  	[simem:s7], [sflag:s8] =	dma.local @!p0 [hbm:s6], $0xF7A  }
0x23: {  	s9 =	sor.u32 $0xD0000000, s2;
	s6 =	simm.s32 $0x108;
	_ =	swait.ge @!p0 [sflag:s8], $0x0  }
0x24: {  	s3 =	sadd.s32 $0x88, s3;
	s6 =	simm.s32 @!p1 $0x1082;
	[sflag:s4] =	ssyncset.s32 $0xFFFFF086  }
0x25: {  	[simem:s6], [sflag:s4] =	dma.local [hbm:s3], $0xF7A  }
0x26: {  	[smem:$0x3F93] =	sst s1;
	(tag) =	ssettag s2;
	_ =	strace s9  }
0x27: {  	s1 =	sld [smem:$0x3FA3]  }
0x28: {  	s2 =	sld [smem:$0x3FA4]  }
0x29: {  	s4 =	sld [smem:$0x3FA6]  }
0x2a: {  	p0 =	seq.s32 s5, $0x0;
	s5 =	sld [smem:$0x3FA7]  }
0x2b: {  	s6 =	sld [smem:$0x3FA8]  }
0x2c: {  	s7 =	sld [smem:$0x3FA9]  }
0x2d: {  	s3 =	simm.s32 $0x108;
	s8 =	sld [smem:$0x3FAA]  }
0x2e: {  	s3 =	simm.s32 @!p0 $0x1082;
	s9 =	sld [smem:$0x3FAB]  }
0x2f: {  	lr =	sadd.s32 s0, s3;
	s0 =	sld [smem:$0x3FA2]  }
0x30: {  	s3 =	sld [smem:$0x3FA5]  }
0x31: {  	[smem:$0x3FAE] =	sst s10  }
0x32: {  	s10 =	sld [smem:$0x3FAC];
	_ =	sdelay $0x3  }
0x33: {  	p0 =	seq.s32 s10, $0x1;
	s10 =	sld [smem:$0x3FAE];
	_ =	sdelay $0x3  }
0x34: {  	[smem:$0x3FAE] =	sst s10  }
0x35: {  	s10 =	sld [smem:$0x3FAD];
	_ =	sdelay $0x3  }
0x36: {  	p1 =	seq.s32 s10, $0x1;
	s10 =	sld [smem:$0x3FAE];
	_ =	sdelay $0x3  }
0x37: {  	[smem:$0x3FAE] =	sst s10  }
0x38: {  	s10 =	sld [smem:$0x3FAF]  }
0x39: {  	_ = 	snop;
	(pc) =	sbr.ind lr, $3  }
0x3a: {  	_ = 	snop  }
0x3b: {  	_ = 	snop  }
0x3c: {  	p2 =	seq.s32 s10, $0x1;
	s10 =	sld [smem:$0x3FAE]  }
0x3d: {  	_ =	shalt  }
0x3e: {  	_ =	shalt  }
0x3f: {  	_ =	shalt  }
0x40: {  	_ =	shalt  }
0x41: {  	_ =	shalt  }
0x42: {  	_ =	shalt  }
0x43: {  	_ =	shalt  }
0x44: {  	_ =	shalt  }
0x45: {  	_ =	shalt  }
0x46: {  	_ =	shalt  }
0x47: {  	_ =	shalt  }
0x48: {  	_ =	shalt  }
0x49: {  	_ =	shalt  }
0x4a: {  	_ =	shalt  }
0x4b: {  	_ =	shalt  }
0x4c: {  	_ =	shalt  }
0x4d: {  	_ =	shalt  }
0x4e: {  	_ =	shalt  }
0x4f: {  	_ =	shalt  }
0x50: {  	_ =	shalt  }
0x51: {  	_ =	shalt  }
0x52: {  	_ =	shalt  }
0x53: {  	_ =	shalt  }
0x54: {  	_ =	shalt  }
0x55: {  	_ =	shalt  }
0x56: {  	_ =	shalt  }
0x57: {  	_ =	shalt  }
0x58: {  	_ =	shalt  }
0x59: {  	_ =	shalt  }
0x5a: {  	_ =	shalt  }
0x5b: {  	_ =	shalt  }
0x5c: {  	_ =	shalt  }
0x5d: {  	_ =	shalt  }
0x5e: {  	_ =	shalt  }
0x5f: {  	_ =	shalt  }
0x60: {  	_ =	shalt  }
0x61: {  	_ =	shalt  }
0x62: {  	_ =	shalt  }
0x63: {  	_ =	shalt  }
0x64: {  	_ =	shalt  }
0x65: {  	_ =	shalt  }
0x66: {  	_ =	shalt  }
0x67: {  	_ =	shalt  }
0x68: {  	_ =	shalt  }
0x69: {  	_ =	shalt  }
0x6a: {  	_ =	shalt  }
0x6b: {  	_ =	shalt  }
0x6c: {  	_ =	shalt  }
0x6d: {  	_ =	shalt  }
0x6e: {  	_ =	shalt  }
0x6f: {  	_ =	shalt  }
0x70: {  	_ =	shalt  }
0x71: {  	_ =	shalt  }
0x72: {  	_ =	shalt  }
0x73: {  	_ =	shalt  }
0x74: {  	_ =	shalt  }
0x75: {  	_ =	shalt  }
0x76: {  	_ =	shalt  }
0x77: {  	_ =	shalt  }
0x78: {  	_ =	shalt  }
0x79: {  	_ =	shalt  }
0x7a: {  	_ =	shalt  }
0x7b: {  	_ =	shalt  }
0x7c: {  	_ =	shalt  }
0x7d: {  	_ =	shalt  }
0x7e: {  	_ =	shalt  }
0x7f: {  	_ =	shalt  }
0x80: {  	_ =	shalt  }
0x81: {  	_ =	shalt  }
0x82: {  	_ =	shalt  }
0x83: {  	_ =	shalt  }
0x84: {  	_ =	shalt  }
0x85: {  	_ =	shalt  }
0x86: {  	_ =	shalt  }
0x87: {  	_ =	shalt  }
.Lfunc_end0:
.L_simem_size_0:
called_computation.4_lowered:
.L_overlay_start_0:
0x88: {  	s2 =	sld [smem:$0x3FD9]  }
0x89: {  	s3 =	sld [smem:$0x3FFE];
	_ =	sdelay $0x1  }
0x8a: {  	s1 =	srdreg.scid  }
0x8b: {  	s0 =	sand.u32 $0x1, s1  }
0x8c: {  	s17 =	sshll.u32 s0, $0xA;
	s2 =	sadd.s32 s3, s2  }
0x8d: {  	s2 =	sadd.s32 s2, s17  }
0x8e: {  	[smem:$0x3FBA] =	sst s2  }
0x8f: {  	_ = 	snop  }
0x90: {  	s2 =	sld [smem:$0x3FD0];
	(tm) =	ssettm $0x1  }
0x91: {  	s18 =	sld [smem:$0x3FFB];
	_ =	sdelay $0x3  }
0x92: {  	_ =	strace s18  }
0x93: {  	s3 =	sld [smem:$0x3FFC];
	_ =	sdelay $0x3  }
0x94: {  	_ =	strace s3  }
0x95: {  	s3 =	sld [smem:$0x3FFD];
	_ =	sdelay $0x3  }
0x96: {  	_ =	strace s3  }
0x97: {  	_ =	strace $0x8FFFFFFF  }
0x98: {  	s19 =	sld [smem:$0x3FDB];
	_ =	sdelay $0x1  }
0x99: {  	s4 =	simm.s32 $_scs_section_size  }
0x9a: {  	s5 =	simm.s32 $_size__tile_overlayer_lowered;
	s6 =	simm.s32 $_tile_overlayer_lowered  }
0x9b: {  	s22 =	simm.s32 $0x1BFF;
	s21 =	sshll.u32 s6, $0x1;
	s3 =	sadd.s32 s4, s19  }
0x9c: {  	s7 =	simm.s32 $0x0;
	s20 =	sshll.u32 s5, $0x1;
	s5 =	sadd.s32 s21, s3  }
0x9d: {  	[timem:s7], [sflag:s22] =	dma.local [hbm:s5], s20  }
0x9e: {  	_ =	swait.ge [sflag:s22], s20  }
0x9f: {  	s4 =	ssub.s32 $0x0, s20;
	[sflag:s22] =	ssyncset.done $0x0  }
0xa0: {  	[sflag:s22] =	ssyncadd.s32 s4;
	_ =	sdelay $0x1  }
0xa1: {  	s23 =	simm.s32 $0x1B8B  }
0xa2: {  	_ =	swait.ge [sflag:s23], $0x1  }
0xa3: {  	[sflag:s23] =	ssyncset.done $0x0  }
0xa4: {  	s25 =	simm.s32 $0x1B8E;
	s24 =	sld [smem:$0x3FFE];
	[sflag:s23] =	ssyncadd.s32 $0xFFFFFFFF  }
0xa5: {  	s26 =	simm.s32 $execute0_lowered;
	[smem:$0x3FD2] =	sst s25  }
0xa6: {  	s5 =	sshll.u32 s26, $0x1;
	_ =	strace $0x80000052;
	[dreg:$0x1] =	wrdreg $0xFFFFFFFF  }
0xa7: {  	s28 =	simm.s32 $_size_execute0_lowered;
	s3 =	sadd.s32 s3, s5;
	[dreg:$0x0] =	wrdreg $0x0  }
0xa8: {  	s5 =	sshll.u32 s28, $0x1;
	[dreg:$0x2] =	wrdreg s3  }
0xa9: {  	[dreg:$0x3] =	wrdreg s5  }
0xaa: {  	[dreg:$0x4] =	wrdreg $0xC0  }
0xab: {  	_ =	task [dreg:s7], $0x5FFFF  }
0xac: {  	[dreg:$0x1] =	wrdreg $0xFFFFFFFF  }
0xad: {  	[dreg:$0x0] =	wrdreg $0x60  }
0xae: {  	[dreg:$0x2] =	wrdreg s24  }
0xaf: {  	[dreg:$0x3] =	wrdreg s2  }
0xb0: {  	[dreg:$0x4] =	wrdreg $0x70000  }
0xb1: {  	[dreg:$0x5] =	wrdreg $0x9  }
0xb2: {  	_ =	task.clear_ibuf [dreg:s7], $0x6FFFF;
	_ =	strace $0x90000052  }
0xb3: {  	s29 =	simm.s32 $0x9;
	_ =	strace $0x80000054  }
0xb4: {  	_ =	swait.ge [sflag:s29], $0x1  }
0xb5: {  	[sflag:s29] =	ssyncadd.s32 $0xFFFFFFFF  }
0xb6: {  	_ =	strace $0x90000054  }
0xb7: {  	_ =	sfence  }
0xb8: {  	s30 =	sld [smem:$0x0];
	_ =	sdelay $0x2  }
0xb9: {  	s31 =	sshll.u32 s1, $0xD;
	s1 =	sshrl.u32 s1, $0x2  }
0xba: {  	s3 =	sand.u32 $0x4000, s31;
	s1 =	sadd.s32 s1, s30  }
0xbb: {  	s0 =	sor.u32 s3, s0;
	s1 =	sshll.u32 s1, $0x11  }
0xbc: {  	s0 =	sor.u32 s1, s0  }
0xbd: {  	s0 =	sadd.s32 $0x8F2B, s0  }
0xbe: {  	[sflag:s0] =	ssyncadd.remote.s32 $0x1  }
0xbf: {  	_ =	sfence.sel $0xFFFF  }
0xc0: {  	[dreg:$0x0] =	wrdreg $0xFFFFFFFF;
	(pc) =	sbr.abs _section_cstart, $3  }
0xc1: {  	[dreg:$0x1] =	wrdreg $0xFFFFFFFF  }
0xc2: {  	_ =	task.clear_ibuf [dreg:s7], $0x2FFFF;
	_ =	strace $0x9FFFFFFF  }
0xc3: {  	(tm) =	ssettm $0x7FFFFFFF  }
tec
execute0_lowered:
.L_overlay_start_1:
0x0: {  	(tag) =	ssettag $0x1  }
0x1: {  	s6 =	rddreg [dreg:$0x0]  }
0x2: {  	s8 =	rddreg [dreg:$0x1]  }
0x3: {  	s2 =	rddreg [dreg:$0x2]  }
0x4: {  	s0 =	rddreg [dreg:$0x3];
	s3 =	srdreg.scid  }
0x5: {  	s1 =	stileid.u32;
	s14 =	simm.s32 $0x80;
	s15 =	simm.s32 $0x5000  }
0x6: {  	s16 =	simm.s32 $0x1;
	s17 =	simm.s32 $0x0;
	s5 =	sand.u32 $0x1, s3  }
0x7: {  	s4 =	sshll.u32 s1, $0x1;
	s7 =	smul.u32 $0xA000, s1;
	s3 =	simm.s32 $0x0  }
0x8: {  	s31 =	sshll.u32 s1, $0x6;
	s4 =	sor.u32 s5, s4;
	s9 =	smul.u32 $0xA0000, s5  }
0x9: {  	[smem:$0x7FF] =	sst s3;
	s12 =	ssub.s32 $0x2, s5;
	s5 =	sadd.s32 $0x22200, s6  }
0xa: {  	s10 =	smul.u32 $0x500, s4;
	_ =	strace $0x80000053;
	s4 =	sadd.s32 $0xE200, s6  }
0xb: {  	s30 =	sshrl.u32 s12, $0x1;
	s13 =	sadd.s32 s7, s2;
	s9 =	sadd.s32 s7, s9  }
0xc: {  	s12 =	ssub.s32 s12, s30;
	s11 =	sadd.s32 s10, s6;
	s9 =	sshrl.u32 s9, $0x3  }
0xd: {  	s8 =	sadd.s32 s8, s10;
	s10 =	smax.u32 s12, $0x1;
	s12 =	simm.s32 $0x2  }
0xe: {  	s9 =	sadd.s32 s9, s6;
	s6 =	sor.u32 $0x1C02, s31;
	s7 =	sadd.s32 $0x4200, s11  }
0xf: {  	s11 =	sshrl.u32 s13, $0x3;
	s13 =	simm.s32 $0x2800;
	s9 =	sadd.s32 $0x23600, s9  }
.LBB2_1:
0x10: {  	[spmem:s11], [sflag:s6] =	dma.local [hbm:s5], $0x1400  }
0x11: {  	_ =	swait.ge [sflag:s12], $0x1400  }
0x12: {  	[sflag:s12] =	ssyncset.done $0x0  }
0x13: {  	[sflag:s12] =	ssyncadd.s32 $0xFFFFEC00  }
0x14: {  	[bflag:$0x0] =	sbarrier.arrive $0xFFFF  }
0x15: {  	[tilespmem:s3], [sflag:$0x2] =	stream.linear.gather [hbm4b:s7+s3], $0x2800, $0x38;
	[tilespmem:$0x11000] =	vst v63  }
0x16: {  	_ =	swait.ge [sflag:s12], $0x2800  }
0x17: {  	[sflag:s12] =	ssyncset.done $0x0  }
0x18: {  	[sflag:s12] =	ssyncadd.s32 $0xFFFFD800  }
0x19: {  	[tilespmem:s13], [sflag:$0x2] =	stream.linear.gather [hbm4b:s8+s3], $0x2800, $0x38;
	[tilespmem:$0x11000] =	vst v63  }
0x1a: {  	_ =	swait.ge [sflag:s12], $0x2800  }
0x1b: {  	[sflag:s12] =	ssyncset.done $0x0  }
0x1c: {  	s18 =	simm.s32 $0x0;
	[sflag:s12] =	ssyncadd.s32 $0xFFFFD800  }
0x1d: {  	[tilespmem:s15], [sflag:$0x1] =	stream.indirect.gather [hbm4b:s4+s14], $0x40, s18, s14, $0xb8;
	[tilespmem:$0x11000] =	vst v63  }
0x1e: {  	_ =	swait.ge [sflag:s16], $0x2000  }
0x1f: {  	[sflag:s16] =	ssyncset.done $0x0  }
0x20: {  	s31 =	simm.s32 $0x2800;
	[sflag:s16] =	ssyncadd.s32 $0xFFFFE000  }
0x21: {  	[spmem:s2] =	stream.indirect.scatter.add.f32 [tilespmem:s15], [sflag:$0x2], $0x40, s31, s14, $0xb8;
	[tilespmem:$0x11000] =	vst v63  }
0x22: {  	_ =	swait.ge [sflag:s12], $0x2000  }
0x23: {  	s19 =	simm.s32 $0x400;
	s18 =	simm.s32 $0x200;
	[sflag:s12] =	ssyncset.done $0x0  }
.LBB2_2:
0x24: {  	s20 =	sshra.s32 s18, $0x2  }
0x25: {  	[sflag:s12] =	ssyncadd.s32 $0xFFFFE000;
	s18 =	smov.u32 s19;
	s21 =	sadd.s32 $0x200, s19  }
0x26: {  	[tilespmem:s15], [sflag:$0x1] =	stream.indirect.gather [hbm4b:s4+s14], $0x40, s20, s14, $0xb8;
	[tilespmem:$0x11000] =	vst v63  }
0x27: {  	p0 =	sne.s32 s19, $0x9E00;
	_ =	swait.ge [sflag:s16], $0x2000  }
.Ltmp0:
0x28: {  	[sflag:s16] =	ssyncset.done $0x0;
	(pc) =	sbr.rel @p0 .LBB2_2-.Ltmp0, $4  }
0x29: {  	s19 =	sadd.s32 $0x2800, s20;
	[sflag:s16] =	ssyncadd.s32 $0xFFFFE000  }
0x2a: {  	[spmem:s2] =	stream.indirect.scatter.add.f32 [tilespmem:s15], [sflag:$0x2], $0x40, s19, s14, $0xb8;
	[tilespmem:$0x11000] =	vst v63  }
0x2b: {  	_ =	swait.ge [sflag:s12], $0x2000  }
0x2c: {  	s19 =	smov.u32 s21;
	[sflag:s12] =	ssyncset.done $0x0  }
0x2d: {  	s18 =	sshra.s32 s18, $0x2;
	[sflag:s12] =	ssyncadd.s32 $0xFFFFE000  }
0x2e: {  	[tilespmem:s15], [sflag:$0x1] =	stream.indirect.gather [hbm4b:s4+s14], $0x40, s18, s14, $0xb8;
	[tilespmem:$0x11000] =	vst v63  }
0x2f: {  	_ =	swait.ge [sflag:s16], $0x2000  }
0x30: {  	[sflag:s16] =	ssyncset.done $0x0  }
0x31: {  	s18 =	sadd.s32 $0x2800, s18;
	[sflag:s16] =	ssyncadd.s32 $0xFFFFE000  }
0x32: {  	[spmem:s2] =	stream.indirect.scatter.add.f32 [tilespmem:s15], [sflag:$0x2], $0x40, s18, s14, $0xb8;
	[tilespmem:$0x11000] =	vst v63  }
0x33: {  	_ =	swait.ge [sflag:s12], $0x2000  }
0x34: {  	s17 =	sadd.s32 $0x1, s17;
	[sflag:s12] =	ssyncset.done $0x0  }
0x35: {  	p0 =	sne.s32 s17, s10;
	[sflag:s12] =	ssyncadd.s32 $0xFFFFE000  }
.Ltmp1:
0x36: {  	[bflag:$0x0] =	sbarrier.arrive $0xFFFF;
	(pc) =	sbr.rel @p0 .LBB2_1-.Ltmp1, $4  }
0x37: {  	[hbm:s9], [sflag:s6] =	dma.local [spmem:s11], $0x1400  }
0x38: {  	_ =	swait.ge [sflag:s12], $0x1400  }
0x39: {  	[sflag:s12] =	ssyncset.done $0x0  }
0x3a: {  	[sflag:s12] =	ssyncadd.s32 $0xFFFFEC00  }
0x3b: {  	_ =	sfence.sel $0x180000  }
0x3c: {  	[bflag:$0x0] =	sbarrier.arrive $0xFFFF  }
0x3d: {  	p0 =	sne.s32 s1, $0x0;
	_ =	strace $0x90000053  }
0x3e: {  	s0 =	sadd.s32 @!p0 $0x100000, s0;
	[bflag:$0x2] =	sbarrier.arrive $0xFFFF  }
0x3f: {  	[sflag:s0] =	ssyncadd.tile.s32 @!p0 $0x1;
	_ =	shalt  }
.Lfunc_end2:
_tile_overlayer_lowered:
.L_overlay_start_2:
0x40: {  	(tag) =	ssettag $0x2  }
0x41: {  	s0 =	rddreg [dreg:$0x0];
	s2 =	stileid.u32  }
0x42: {  	s1 =	rddreg [dreg:$0x1];
	p0 =	sne.s32 s2, $0x0  }
0x43: {  	s3 =	rddreg [dreg:$0x2];
	[bflag:$0x3] =	sbarrier.arrive $0xFFFF;
	s2 =	simm.s32 @!p0 $0x1C02  }
0x44: {  	[timem:s3], [sflag:s2] =	dma.local @!p0 [hbm:s0], s1  }
0x45: {  	s0 =	simm.s32 @!p0 $0x2  }
0x46: {  	_ =	swait.ge @!p0 [sflag:s0], s1  }
0x47: {  	s1 =	ssub.s32 @!p0 $0x0, s1;
	[sflag:s0] =	ssyncset.done @!p0 $0x0  }
0x48: {  	[sflag:s0] =	ssyncadd.s32 @!p0 s1  }
0x49: {  	[bflag:$0x3] =	sbarrier.arrive $0xFFFF  }
0x4a: {  	_ =	shalt  }

</sc_bundles>
